<compile_context>
chip_gen: v7x
topology: tpu7x:2x2x1
jax: 0.10.2.dev20260603
libtpu: 0.0.44.dev20260713+nightly
codegen_flags: <defaults>
</compile_context>

<pallas_src>
import functools

import jax
import jax.numpy as jnp
from jax import lax
from jax.experimental import pallas as pl
from jax.experimental.pallas import tpu as pltpu
from jax.experimental.pallas import tpu_sc as plsc

_B, _NT, _NCOL, _D = 256, 32, 96, 128
_ET, _E, _T = 4, 512, 3
_N = _NT + _NCOL
_ROW = _ET * _N
_AW = _N * _ROW
_NC, _NS = 2, 16
_GPW = _B // (_NC * _NS)
_ZW = 16384


def _adj_sc_body(sd_hbm, adj_hbm, sd_v, idx_v, ones_v, zeros_v, acc_shared):
    cid = lax.axis_index("c")
    sid = lax.axis_index("s")
    wid = sid * _NC + cid
    srow = sid * _AW
    ne = _ET * _E

    def fill_body(k, _):
        zeros_v[pl.ds(k * 16, 16)] = jnp.zeros((16,), jnp.float32)
        return 0

    lax.fori_loop(0, _ZW // 16, fill_body, 0)

    def ones_body(k, _):
        ones_v[pl.ds(k * 16, 16)] = jnp.full((16,), 1.0, jnp.float32)
        return 0

    lax.fori_loop(0, ne // 16, ones_body, 0)

    def per_graph(j, _):
        g = wid * _GPW + j
        pltpu.sync_copy(sd_hbm.at[g], sd_v)

        def idx_body(c, _):
            s16 = sd_v[pl.ds(c * 16, 16)]
            d16 = sd_v[pl.ds(ne + c * 16, 16)]
            e = c // (_E // 16)
            v = d16 * _ROW + e * _N + s16 + srow
            idx_v[pl.ds(c * 16, 16)] = v
            return 0

        lax.fori_loop(0, ne // 16, idx_body, 0)
        for z in range(_AW // _ZW):
            pltpu.sync_copy(zeros_v, acc_shared.at[pl.ds(srow + z * _ZW, _ZW)])
        pltpu.sync_copy(ones_v, acc_shared.at[idx_v], add=True)
        pltpu.sync_copy(acc_shared.at[pl.ds(srow, _AW)], adj_hbm.at[g])
        return 0

    lax.fori_loop(0, _GPW, per_graph, 0)


def _build_adj_sc(sd):
    mesh = plsc.VectorSubcoreMesh(core_axis_name="c", subcore_axis_name="s",
                                  num_cores=_NC, num_subcores=_NS)
    kfn = pl.kernel(
        _adj_sc_body,
        out_type=jax.ShapeDtypeStruct((_B, _AW), jnp.float32),
        mesh=mesh,
        scratch_types=[
            pltpu.VMEM((2 * _ET * _E,), jnp.int32),
            pltpu.VMEM((_ET * _E,), jnp.int32),
            pltpu.VMEM((_ET * _E,), jnp.float32),
            pltpu.VMEM((_ZW,), jnp.float32),
            pltpu.VMEM_SHARED((_NS * _AW,), jnp.float32),
        ],
    )
    return kfn(sd).reshape(_B, _N, _ROW)


def _gnn_kernel(tab_ref, col_ref, adj_ref, We_ref, be_ref, Wi_ref, Wh_ref,
                bi_ref, bh_ref, out_ref, G):
    bf = jnp.bfloat16
    h = jnp.concatenate([tab_ref[...], col_ref[...]], axis=1)
    h = h.reshape(G * _N, _D)
    We = We_ref[...].astype(bf)
    be = be_ref[...]
    Wi = Wi_ref[...].astype(bf)
    Wh = Wh_ref[...].astype(bf)
    bi = bi_ref[...]
    bh = bh_ref[...]
    adj = adj_ref[...].astype(bf)
    for _ in range(_T):
        hb = h.astype(bf)
        ms = [jnp.dot(hb, We[e], preferred_element_type=jnp.float32)
              + be[e][None, :] for e in range(_ET)]
        a_rows = []
        for g in range(G):
            mcat = jnp.concatenate(
                [ms[e][g * _N:(g + 1) * _N, :] for e in range(_ET)],
                axis=0).astype(bf)
            a_rows.append(jnp.dot(adj[g], mcat,
                                  preferred_element_type=jnp.float32))
        a = jnp.concatenate(a_rows, axis=0)
        gi = jnp.dot(a.astype(bf), Wi, preferred_element_type=jnp.float32) + bi
        gh = jnp.dot(hb, Wh, preferred_element_type=jnp.float32) + bh
        r = jax.nn.sigmoid(gi[:, :_D] + gh[:, :_D])
        z = jax.nn.sigmoid(gi[:, _D:2 * _D] + gh[:, _D:2 * _D])
        n = jnp.tanh(gi[:, 2 * _D:] + r * gh[:, 2 * _D:])
        h = (1.0 - z) * n + z * h
    out_ref[...] = h.reshape(G, _N, _D)


def _run_gnn(tabemb, colemb, adj, We, be, Wi, Wh, bi, bh, G=8):
    nblk = _B // G
    return pl.pallas_call(
        functools.partial(_gnn_kernel, G=G),
        grid=(nblk,),
        in_specs=[
            pl.BlockSpec((G, _NT, _D), lambda i: (i, 0, 0)),
            pl.BlockSpec((G, _NCOL, _D), lambda i: (i, 0, 0)),
            pl.BlockSpec((G, _N, _ROW), lambda i: (i, 0, 0)),
            pl.BlockSpec((_ET, _D, _D), lambda i: (0, 0, 0)),
            pl.BlockSpec((_ET, _D), lambda i: (0, 0)),
            pl.BlockSpec((_D, 3 * _D), lambda i: (0, 0)),
            pl.BlockSpec((_D, 3 * _D), lambda i: (0, 0)),
            pl.BlockSpec((1, 3 * _D), lambda i: (0, 0)),
            pl.BlockSpec((1, 3 * _D), lambda i: (0, 0)),
        ],
        out_specs=pl.BlockSpec((G, _N, _D), lambda i: (i, 0, 0)),
        out_shape=jax.ShapeDtypeStruct((_B, _N, _D), jnp.float32),
    )(tabemb, colemb, adj, We, be, Wi, Wh, bi, bh)


def kernel(colemb, tabemb, graph_tensor, We, be, Wi, Wh, bi, bh):
    sd = jnp.moveaxis(graph_tensor.reshape(_B, _ET * _E, 2), 2, 1)
    adj = _build_adj_sc(sd.reshape(_B, 2 * _ET * _E))
    out = _run_gnn(tabemb, colemb, adj, We, be, Wi, Wh,
                   bi.reshape(1, -1), bh.reshape(1, -1))
    return out[:, _NT:, :], out[:, :_NT, :]

# --- scband reference (transcript-rebuilt; emitter-appended) ---
"""Pipeline reference for scband-graph-nn-37125697307279 (READ-ONLY COPY).

The authoritative reference and input builder live on the scoring server;
editing this copy changes nothing except your own understanding.
"""

import jax, jax.numpy as jnp
import numpy as np

B, NUM_TAB, NUM_COL, D = 256, 32, 96, 128
NUM_EDGE_TYPES, E_PER, T = 4, 512, 3
NUM_NODES = NUM_TAB + NUM_COL


def _gnn_forward(colemb, tabemb, graph_tensor, We, be, Wi, Wh, bi, bh):
    # Batch.from_data_list semantics: concat node features of all graphs,
    # offset per-graph edge indices by graph index * num_nodes.
    Bn = graph_tensor.shape[0]
    num_tab = tabemb.shape[1]
    num_col = colemb.shape[1]
    num_nodes = num_tab + num_col
    d = colemb.shape[2]
    graphemb = jnp.concatenate([tabemb, colemb], axis=1)          # [B, N, d]
    h = graphemb.reshape(Bn * num_nodes, d)                        # [B*N, d]
    offsets = (jnp.arange(Bn, dtype=graph_tensor.dtype) * num_nodes)[:, None, None, None]
    gt = graph_tensor + offsets                                    # [B, ET, E, 2]
    # edge_ = graph_tensor[g][e].transpose(0,1) -> [2, E]; row0 = src, row1 = dst
    src_all = jnp.transpose(gt[..., 0], (1, 0, 2)).reshape(NUM_EDGE_TYPES, -1)
    dst_all = jnp.transpose(gt[..., 1], (1, 0, 2)).reshape(NUM_EDGE_TYPES, -1)
    for _ in range(T):
        a = jnp.zeros_like(h)
        for eidx in range(NUM_EDGE_TYPES):
            m = h @ We[eidx] + be[eidx]                            # per-node edge-type transform
            msgs = jnp.take(m, src_all[eidx], axis=0)              # gather
            a = a.at[dst_all[eidx]].add(msgs)                      # scatter-add
        # GRU cell update (input a, hidden h)
        gi = a @ Wi + bi
        gh = h @ Wh + bh
        i_r, i_z, i_n = jnp.split(gi, 3, axis=-1)
        h_r, h_z, h_n = jnp.split(gh, 3, axis=-1)
        r = jax.nn.sigmoid(i_r + h_r)
        z = jax.nn.sigmoid(i_z + h_z)
        n = jnp.tanh(i_n + r * h_n)
        h = (1.0 - z) * n + z * h
    out = h.reshape(Bn, num_nodes, d)
    tab_out = out[:, :num_tab, :]
    col_out = out[:, num_tab:, :]
    return col_out, tab_out


def setup_inputs(seed: int = 0) -> dict:
    key = jax.random.key(seed)
    ks = jax.random.split(key, 8)
    colemb = jax.random.normal(ks[0], (B, NUM_COL, D), dtype=jnp.float32)
    tabemb = jax.random.normal(ks[1], (B, NUM_TAB, D), dtype=jnp.float32)
    graph_tensor = jax.random.randint(ks[2], (B, NUM_EDGE_TYPES, E_PER, 2), 0, NUM_NODES, dtype=jnp.int32)
    We = jax.random.normal(ks[3], (NUM_EDGE_TYPES, D, D), dtype=jnp.float32) * 0.05
    be = jnp.zeros((NUM_EDGE_TYPES, D), dtype=jnp.float32)
    Wi = jax.random.normal(ks[4], (D, 3 * D), dtype=jnp.float32) * 0.05
    Wh = jax.random.normal(ks[5], (D, 3 * D), dtype=jnp.float32) * 0.05
    bi = jnp.zeros((3 * D,), dtype=jnp.float32)
    bh = jnp.zeros((3 * D,), dtype=jnp.float32)
    return {"colemb": colemb, "tabemb": tabemb, "graph_tensor": graph_tensor,
            "We": We, "be": be, "Wi": Wi, "Wh": Wh, "bi": bi, "bh": bh}


def reference(colemb, tabemb, graph_tensor, We, be, Wi, Wh, bi, bh):
    return _gnn_forward(colemb, tabemb, graph_tensor, We, be, Wi, Wh, bi, bh)

if __name__ == "__main__":
    import jax
    _d = setup_inputs()
    print(jax.jit(kernel)(*tuple(_d.values())))

</pallas_src>

<mosaic_0001>
#map = affine_map<(d0, d1) -> (0, 0)>
module attributes {stable_mosaic.version = 14 : i64} {
  func.func @_adj_sc_body(%arg0: i32, %arg1: i32, %arg2: memref<256x4096xi32, #tpu.memory_space<hbm>>, %arg3: memref<256x65536xf32, #tpu.memory_space<hbm>>, %arg4: memref<4096xi32, #tpu.memory_space<vmem>>, %arg5: memref<2048xi32, #tpu.memory_space<vmem>>, %arg6: memref<2048xf32, #tpu.memory_space<vmem>>, %arg7: memref<16384xf32, #tpu.memory_space<vmem>>, %arg8: memref<1048576xf32, #tpu.memory_space<vmem_shared>>) attributes {dimension_semantics = [#tpu.dimension_semantics<core_parallel>, #tpu.dimension_semantics<subcore_parallel>], iteration_bounds = array<i64: 2, 16>, scalar_prefetch = 0 : i64, scratch_operands = 5 : i64, tpu.core_type = #tpu.core_type<sc_vector_subcore>, window_params = [{transform_indices = #map}, {transform_indices = #map}]} {
    %mul3A = arith.constant 2 : i32
    %mul3A_0 = arith.muli %arg1, %mul3A : i32
    %add3A = arith.addi %mul3A_0, %arg0 : i32
    %mul3A_1 = arith.constant 65536 : i32
    %mul3A_2 = arith.muli %arg1, %mul3A_1 : i32
    %scan3A = arith.constant 0 : i32
    %scan3A_3 = arith.constant 0 : i32
    %scan3A_4 = arith.constant 1024 : i32
    %scan3A_5 = arith.addi %scan3A_3, %scan3A_4 : i32
    %scan3A_6 = arith.constant 1 : i32
    %scan3A_7 = scf.for %scan3A_23 = %scan3A_3 to %scan3A_5 step %scan3A_6 iter_args(%scan3A_24 = %scan3A) -> (i32)  : i32 {
      %broadcast_in_dim3A = arith.constant 0.000000e+00 : f32
      %broadcast_in_dim3A_25 = vector.broadcast %broadcast_in_dim3A : f32 to vector<16xf32>
      %mul3A_26 = arith.constant 16 : i32
      %mul3A_27 = arith.muli %scan3A_23, %mul3A_26 : i32
      %swap3A = arith.index_cast %mul3A_27 : i32 to index
      %swap3A_28 = tpu.vector_load %arg7[%swap3A] {strides = array<i32>} : memref<16384xf32, #tpu.memory_space<vmem>>, vector<16xf32>,
      %swap3A_29 = vector.shape_cast %swap3A_28 : vector<16xf32> to vector<16xf32>
      %swap3A_30 = vector.shape_cast %broadcast_in_dim3A_25 : vector<16xf32> to vector<16xf32>
      tpu.vector_store %arg7[%swap3A], %swap3A_30 {strides = array<i32>} : memref<16384xf32, #tpu.memory_space<vmem>>, vector<16xf32>,
      %scan3A_31 = arith.constant 0 : i32
      scf.yield %scan3A_31 : i32
    }
    %scan3A_8 = arith.constant 1024 : i32
    %scan3A_9 = arith.constant 0 : i32
    %scan3A_10 = arith.constant 0 : i32
    %scan3A_11 = arith.constant 128 : i32
    %scan3A_12 = arith.addi %scan3A_10, %scan3A_11 : i32
    %scan3A_13 = arith.constant 1 : i32
    %scan3A_14 = scf.for %scan3A_23 = %scan3A_10 to %scan3A_12 step %scan3A_13 iter_args(%scan3A_24 = %scan3A_9) -> (i32)  : i32 {
      %broadcast_in_dim3A = arith.constant 1.000000e+00 : f32
      %broadcast_in_dim3A_25 = vector.broadcast %broadcast_in_dim3A : f32 to vector<16xf32>
      %mul3A_26 = arith.constant 16 : i32
      %mul3A_27 = arith.muli %scan3A_23, %mul3A_26 : i32
      %swap3A = arith.index_cast %mul3A_27 : i32 to index
      %swap3A_28 = tpu.vector_load %arg6[%swap3A] {strides = array<i32>} : memref<2048xf32, #tpu.memory_space<vmem>>, vector<16xf32>,
      %swap3A_29 = vector.shape_cast %swap3A_28 : vector<16xf32> to vector<16xf32>
      %swap3A_30 = vector.shape_cast %broadcast_in_dim3A_25 : vector<16xf32> to vector<16xf32>
      tpu.vector_store %arg6[%swap3A], %swap3A_30 {strides = array<i32>} : memref<2048xf32, #tpu.memory_space<vmem>>, vector<16xf32>,
      %scan3A_31 = arith.constant 0 : i32
      scf.yield %scan3A_31 : i32
    }
    %scan3A_15 = arith.constant 128 : i32
    %scan3A_16 = arith.constant 0 : i32
    %scan3A_17 = arith.constant 0 : i32
    %scan3A_18 = arith.constant 8 : i32
    %scan3A_19 = arith.addi %scan3A_17, %scan3A_18 : i32
    %scan3A_20 = arith.constant 1 : i32
    %scan3A_21 = scf.for %scan3A_23 = %scan3A_17 to %scan3A_19 step %scan3A_20 iter_args(%scan3A_24 = %scan3A_16) -> (i32)  : i32 {
      %mul3A_25 = arith.constant 8 : i32
      %mul3A_26 = arith.muli %add3A, %mul3A_25 : i32
      %add3A_27 = arith.addi %mul3A_26, %scan3A_23 : i32
      "tpu.region"() ({
        %run_scoped3A = tpu.sem_alloc : memref<!tpu.dma_semaphore, #tpu.memory_space<semaphore_mem>>
        %dma_start3A = arith.constant 0 : i32
        %dma_start3A_44 = tpu.memref_slice %arg2[%add3A_27, %dma_start3A] : memref<256x4096xi32, #tpu.memory_space<hbm>> -> memref<1x4096xi32, #tpu.memory_space<hbm>>
        %dma_start3A_45 = tpu.memref_squeeze %dma_start3A_44 : memref<1x4096xi32, #tpu.memory_space<hbm>> -> memref<4096xi32, #tpu.memory_space<hbm>>
        %dma_start3A_46 = arith.constant 0 : i32
        %dma_start3A_47 = tpu.memref_slice %arg2[%add3A_27, %dma_start3A_46] : memref<256x4096xi32, #tpu.memory_space<hbm>> -> memref<1x4096xi32, #tpu.memory_space<hbm>>
        %dma_start3A_48 = tpu.memref_squeeze %dma_start3A_47 : memref<1x4096xi32, #tpu.memory_space<hbm>> -> memref<4096xi32, #tpu.memory_space<hbm>>
        tpu.enqueue_dma source(%dma_start3A_48 : memref<4096xi32, #tpu.memory_space<hbm>>) target(%arg4 : memref<4096xi32, #tpu.memory_space<vmem>>) target_semaphore(%run_scoped3A : memref<!tpu.dma_semaphore, #tpu.memory_space<semaphore_mem>>)
        %dma_wait3A = arith.constant 0 : i32
        %dma_wait3A_49 = tpu.memref_slice %arg2[%add3A_27, %dma_wait3A] : memref<256x4096xi32, #tpu.memory_space<hbm>> -> memref<1x4096xi32, #tpu.memory_space<hbm>>
        %dma_wait3A_50 = tpu.memref_squeeze %dma_wait3A_49 : memref<1x4096xi32, #tpu.memory_space<hbm>> -> memref<4096xi32, #tpu.memory_space<hbm>>
        %dma_wait3A_51 = arith.constant 0 : i32
        %dma_wait3A_52 = tpu.memref_slice %arg2[%add3A_27, %dma_wait3A_51] : memref<256x4096xi32, #tpu.memory_space<hbm>> -> memref<1x4096xi32, #tpu.memory_space<hbm>>
        %dma_wait3A_53 = tpu.memref_squeeze %dma_wait3A_52 : memref<1x4096xi32, #tpu.memory_space<hbm>> -> memref<4096xi32, #tpu.memory_space<hbm>>
        tpu.wait_dma2 semaphore(%run_scoped3A : memref<!tpu.dma_semaphore, #tpu.memory_space<semaphore_mem>>) src(%dma_wait3A_53 : memref<4096xi32, #tpu.memory_space<hbm>>) dst(%arg4 : memref<4096xi32, #tpu.memory_space<vmem>>)
        tpu.yield
      }) : () -> ()
      %scan3A_28 = arith.constant 0 : i32
      %scan3A_29 = arith.constant 0 : i32
      %scan3A_30 = arith.constant 128 : i32
      %scan3A_31 = arith.addi %scan3A_29, %scan3A_30 : i32
      %scan3A_32 = arith.constant 1 : i32
      %scan3A_33 = scf.for %scan3A_44 = %scan3A_29 to %scan3A_31 step %scan3A_32 iter_args(%scan3A_45 = %scan3A_28) -> (i32)  : i32 {
        %mul3A_46 = arith.constant 16 : i32
        %mul3A_47 = arith.muli %scan3A_44, %mul3A_46 : i32
        %get3A = arith.index_cast %mul3A_47 : i32 to index
        %get3A_48 = tpu.vector_load %arg4[%get3A] {strides = array<i32>} : memref<4096xi32, #tpu.memory_space<vmem>>, vector<16xi32>,
        %get3A_49 = vector.shape_cast %get3A_48 : vector<16xi32> to vector<16xi32>
        %mul3A_50 = arith.constant 16 : i32
        %mul3A_51 = arith.muli %scan3A_44, %mul3A_50 : i32
        %add3A_52 = arith.constant 2048 : i32
        %add3A_53 = arith.addi %add3A_52, %mul3A_51 : i32
        %get3A_54 = arith.index_cast %add3A_53 : i32 to index
        %get3A_55 = tpu.vector_load %arg4[%get3A_54] {strides = array<i32>} : memref<4096xi32, #tpu.memory_space<vmem>>, vector<16xi32>,
        %get3A_56 = vector.shape_cast %get3A_55 : vector<16xi32> to vector<16xi32>
        %jit3A = arith.constant 32 : i32
        %div3A = arith.divsi %scan3A_44, %jit3A : i32
        %sign3A = arith.constant 0 : i32
        %sign3A_57 = arith.cmpi sgt, %scan3A_44, %sign3A : i32
        %sign3A_58 = arith.extui %sign3A_57 : i1 to i32
        %sign3A_59 = arith.constant 0 : i32
        %sign3A_60 = arith.cmpi slt, %scan3A_44, %sign3A_59 : i32
        %sign3A_61 = arith.extui %sign3A_60 : i1 to i32
        %sign3A_62 = arith.subi %sign3A_58, %sign3A_61 : i32
        %sign3A_63 = arith.constant 0 : i32
        %sign3A_64 = arith.cmpi sgt, %jit3A, %sign3A_63 : i32
        %sign3A_65 = arith.extui %sign3A_64 : i1 to i32
        %sign3A_66 = arith.constant 0 : i32
        %sign3A_67 = arith.cmpi slt, %jit3A, %sign3A_66 : i32
        %sign3A_68 = arith.extui %sign3A_67 : i1 to i32
        %sign3A_69 = arith.subi %sign3A_65, %sign3A_68 : i32
        %ne3A = arith.cmpi ne, %sign3A_62, %sign3A_69 : i32
        %rem3A = arith.remsi %scan3A_44, %jit3A : i32
        %ne3A_70 = arith.constant 0 : i32
        %ne3A_71 = arith.cmpi ne, %rem3A, %ne3A_70 : i32
        %and3A = arith.andi %ne3A, %ne3A_71 : i1
        %sub3A = arith.constant 1 : i32
        %sub3A_72 = arith.subi %div3A, %sub3A : i32
        %select_n3A = arith.select %and3A, %sub3A_72, %div3A : i32
        %mul3A_73 = arith.constant 512 : i32
        %mul3A_74 = vector.broadcast %mul3A_73 : i32 to vector<16xi32>
        %mul3A_75 = arith.muli %get3A_56, %mul3A_74 : vector<16xi32>
        %mul3A_76 = arith.constant 128 : i32
        %mul3A_77 = arith.muli %select_n3A, %mul3A_76 : i32
        %add3A_78 = vector.broadcast %mul3A_77 : i32 to vector<16xi32>
        %add3A_79 = arith.addi %mul3A_75, %add3A_78 : vector<16xi32>
        %add3A_80 = arith.addi %add3A_79, %get3A_49 : vector<16xi32>
        %add3A_81 = vector.broadcast %mul3A_2 : i32 to vector<16xi32>
        %add3A_82 = arith.addi %add3A_80, %add3A_81 : vector<16xi32>
        %mul3A_83 = arith.constant 16 : i32
        %mul3A_84 = arith.muli %scan3A_44, %mul3A_83 : i32
        %swap3A = arith.index_cast %mul3A_84 : i32 to index
        %swap3A_85 = tpu.vector_load %arg5[%swap3A] {strides = array<i32>} : memref<2048xi32, #tpu.memory_space<vmem>>, vector<16xi32>,
        %swap3A_86 = vector.shape_cast %swap3A_85 : vector<16xi32> to vector<16xi32>
        %swap3A_87 = vector.shape_cast %add3A_82 : vector<16xi32> to vector<16xi32>
        tpu.vector_store %arg5[%swap3A], %swap3A_87 {strides = array<i32>} : memref<2048xi32, #tpu.memory_space<vmem>>, vector<16xi32>,
        %scan3A_88 = arith.constant 0 : i32
        scf.yield %scan3A_88 : i32
      }
      %scan3A_34 = arith.constant 128 : i32
      %add3A_35 = arith.constant 0 : i32
      %add3A_36 = arith.addi %mul3A_2, %add3A_35 : i32
      "tpu.region"() ({
        %run_scoped3A = tpu.sem_alloc : memref<!tpu.dma_semaphore, #tpu.memory_space<semaphore_mem>>
        %dma_start3A = tpu.memref_slice %arg8[%add3A_36] : memref<1048576xf32, #tpu.memory_space<vmem_shared>> -> memref<16384xf32, #tpu.memory_space<vmem_shared>>
        %dma_start3A_44 = tpu.memref_slice %arg8[%add3A_36] : memref<1048576xf32, #tpu.memory_space<vmem_shared>> -> memref<16384xf32, #tpu.memory_space<vmem_shared>>
        tpu.enqueue_dma source(%arg7 : memref<16384xf32, #tpu.memory_space<vmem>>) target(%dma_start3A_44 : memref<16384xf32, #tpu.memory_space<vmem_shared>>) target_semaphore(%run_scoped3A : memref<!tpu.dma_semaphore, #tpu.memory_space<semaphore_mem>>)
        %dma_wait3A = tpu.memref_slice %arg8[%add3A_36] : memref<1048576xf32, #tpu.memory_space<vmem_shared>> -> memref<16384xf32, #tpu.memory_space<vmem_shared>>
        %dma_wait3A_45 = tpu.memref_slice %arg8[%add3A_36] : memref<1048576xf32, #tpu.memory_space<vmem_shared>> -> memref<16384xf32, #tpu.memory_space<vmem_shared>>
        tpu.wait_dma2 semaphore(%run_scoped3A : memref<!tpu.dma_semaphore, #tpu.memory_space<semaphore_mem>>) src(%arg7 : memref<16384xf32, #tpu.memory_space<vmem>>) dst(%dma_wait3A_45 : memref<16384xf32, #tpu.memory_space<vmem_shared>>)
        tpu.yield
      }) : () -> ()
      %add3A_37 = arith.constant 16384 : i32
      %add3A_38 = arith.addi %mul3A_2, %add3A_37 : i32
      "tpu.region"() ({
        %run_scoped3A = tpu.sem_alloc : memref<!tpu.dma_semaphore, #tpu.memory_space<semaphore_mem>>
        %dma_start3A = tpu.memref_slice %arg8[%add3A_38] : memref<1048576xf32, #tpu.memory_space<vmem_shared>> -> memref<16384xf32, #tpu.memory_space<vmem_shared>>
        %dma_start3A_44 = tpu.memref_slice %arg8[%add3A_38] : memref<1048576xf32, #tpu.memory_space<vmem_shared>> -> memref<16384xf32, #tpu.memory_space<vmem_shared>>
        tpu.enqueue_dma source(%arg7 : memref<16384xf32, #tpu.memory_space<vmem>>) target(%dma_start3A_44 : memref<16384xf32, #tpu.memory_space<vmem_shared>>) target_semaphore(%run_scoped3A : memref<!tpu.dma_semaphore, #tpu.memory_space<semaphore_mem>>)
        %dma_wait3A = tpu.memref_slice %arg8[%add3A_38] : memref<1048576xf32, #tpu.memory_space<vmem_shared>> -> memref<16384xf32, #tpu.memory_space<vmem_shared>>
        %dma_wait3A_45 = tpu.memref_slice %arg8[%add3A_38] : memref<1048576xf32, #tpu.memory_space<vmem_shared>> -> memref<16384xf32, #tpu.memory_space<vmem_shared>>
        tpu.wait_dma2 semaphore(%run_scoped3A : memref<!tpu.dma_semaphore, #tpu.memory_space<semaphore_mem>>) src(%arg7 : memref<16384xf32, #tpu.memory_space<vmem>>) dst(%dma_wait3A_45 : memref<16384xf32, #tpu.memory_space<vmem_shared>>)
        tpu.yield
      }) : () -> ()
      %add3A_39 = arith.constant 32768 : i32
      %add3A_40 = arith.addi %mul3A_2, %add3A_39 : i32
      "tpu.region"() ({
        %run_scoped3A = tpu.sem_alloc : memref<!tpu.dma_semaphore, #tpu.memory_space<semaphore_mem>>
        %dma_start3A = tpu.memref_slice %arg8[%add3A_40] : memref<1048576xf32, #tpu.memory_space<vmem_shared>> -> memref<16384xf32, #tpu.memory_space<vmem_shared>>
        %dma_start3A_44 = tpu.memref_slice %arg8[%add3A_40] : memref<1048576xf32, #tpu.memory_space<vmem_shared>> -> memref<16384xf32, #tpu.memory_space<vmem_shared>>
        tpu.enqueue_dma source(%arg7 : memref<16384xf32, #tpu.memory_space<vmem>>) target(%dma_start3A_44 : memref<16384xf32, #tpu.memory_space<vmem_shared>>) target_semaphore(%run_scoped3A : memref<!tpu.dma_semaphore, #tpu.memory_space<semaphore_mem>>)
        %dma_wait3A = tpu.memref_slice %arg8[%add3A_40] : memref<1048576xf32, #tpu.memory_space<vmem_shared>> -> memref<16384xf32, #tpu.memory_space<vmem_shared>>
        %dma_wait3A_45 = tpu.memref_slice %arg8[%add3A_40] : memref<1048576xf32, #tpu.memory_space<vmem_shared>> -> memref<16384xf32, #tpu.memory_space<vmem_shared>>
        tpu.wait_dma2 semaphore(%run_scoped3A : memref<!tpu.dma_semaphore, #tpu.memory_space<semaphore_mem>>) src(%arg7 : memref<16384xf32, #tpu.memory_space<vmem>>) dst(%dma_wait3A_45 : memref<16384xf32, #tpu.memory_space<vmem_shared>>)
        tpu.yield
      }) : () -> ()
      %add3A_41 = arith.constant 49152 : i32
      %add3A_42 = arith.addi %mul3A_2, %add3A_41 : i32
      "tpu.region"() ({
        %run_scoped3A = tpu.sem_alloc : memref<!tpu.dma_semaphore, #tpu.memory_space<semaphore_mem>>
        %dma_start3A = tpu.memref_slice %arg8[%add3A_42] : memref<1048576xf32, #tpu.memory_space<vmem_shared>> -> memref<16384xf32, #tpu.memory_space<vmem_shared>>
        %dma_start3A_44 = tpu.memref_slice %arg8[%add3A_42] : memref<1048576xf32, #tpu.memory_space<vmem_shared>> -> memref<16384xf32, #tpu.memory_space<vmem_shared>>
        tpu.enqueue_dma source(%arg7 : memref<16384xf32, #tpu.memory_space<vmem>>) target(%dma_start3A_44 : memref<16384xf32, #tpu.memory_space<vmem_shared>>) target_semaphore(%run_scoped3A : memref<!tpu.dma_semaphore, #tpu.memory_space<semaphore_mem>>)
        %dma_wait3A = tpu.memref_slice %arg8[%add3A_42] : memref<1048576xf32, #tpu.memory_space<vmem_shared>> -> memref<16384xf32, #tpu.memory_space<vmem_shared>>
        %dma_wait3A_45 = tpu.memref_slice %arg8[%add3A_42] : memref<1048576xf32, #tpu.memory_space<vmem_shared>> -> memref<16384xf32, #tpu.memory_space<vmem_shared>>
        tpu.wait_dma2 semaphore(%run_scoped3A : memref<!tpu.dma_semaphore, #tpu.memory_space<semaphore_mem>>) src(%arg7 : memref<16384xf32, #tpu.memory_space<vmem>>) dst(%dma_wait3A_45 : memref<16384xf32, #tpu.memory_space<vmem_shared>>)
        tpu.yield
      }) : () -> ()
      "tpu.region"() ({
        %run_scoped3A = tpu.sem_alloc : memref<!tpu.dma_semaphore, #tpu.memory_space<semaphore_mem>>
        %dma_start3A = arith.constant 0 : i32
        %dma_start3A_44 = tpu.memref_slice %arg8[%dma_start3A] : memref<1048576xf32, #tpu.memory_space<vmem_shared>> -> memref<1048576xf32, #tpu.memory_space<vmem_shared>>
        tpu.enqueue_indirect_dma source(%arg6 : memref<2048xf32, #tpu.memory_space<vmem>>) target(%dma_start3A_44 : memref<1048576xf32, #tpu.memory_space<vmem_shared>>) offsets(%arg5 : memref<2048xi32, #tpu.memory_space<vmem>>) semaphore(%run_scoped3A : memref<!tpu.dma_semaphore, #tpu.memory_space<semaphore_mem>>) {add = true}
        %dma_wait3A = arith.constant 0 : i32
        %dma_wait3A_45 = tpu.memref_slice %arg8[%dma_wait3A] : memref<1048576xf32, #tpu.memory_space<vmem_shared>> -> memref<1048576xf32, #tpu.memory_space<vmem_shared>>
        tpu.wait_indirect_dma semaphore(%run_scoped3A : memref<!tpu.dma_semaphore, #tpu.memory_space<semaphore_mem>>) src(%arg6 : memref<2048xf32, #tpu.memory_space<vmem>>) dst(%dma_wait3A_45 : memref<1048576xf32, #tpu.memory_space<vmem_shared>>)
        tpu.yield
      }) : () -> ()
      "tpu.region"() ({
        %run_scoped3A = tpu.sem_alloc : memref<!tpu.dma_semaphore, #tpu.memory_space<semaphore_mem>>
        %dma_start3A = arith.constant 0 : i32
        %dma_start3A_44 = tpu.memref_slice %arg3[%add3A_27, %dma_start3A] : memref<256x65536xf32, #tpu.memory_space<hbm>> -> memref<1x65536xf32, #tpu.memory_space<hbm>>
        %dma_start3A_45 = tpu.memref_squeeze %dma_start3A_44 : memref<1x65536xf32, #tpu.memory_space<hbm>> -> memref<65536xf32, #tpu.memory_space<hbm>>
        %dma_start3A_46 = tpu.memref_slice %arg8[%mul3A_2] : memref<1048576xf32, #tpu.memory_space<vmem_shared>> -> memref<65536xf32, #tpu.memory_space<vmem_shared>>
        tpu.enqueue_dma source(%dma_start3A_46 : memref<65536xf32, #tpu.memory_space<vmem_shared>>) target(%dma_start3A_45 : memref<65536xf32, #tpu.memory_space<hbm>>) target_semaphore(%run_scoped3A : memref<!tpu.dma_semaphore, #tpu.memory_space<semaphore_mem>>)
        %dma_wait3A = arith.constant 0 : i32
        %dma_wait3A_47 = tpu.memref_slice %arg3[%add3A_27, %dma_wait3A] : memref<256x65536xf32, #tpu.memory_space<hbm>> -> memref<1x65536xf32, #tpu.memory_space<hbm>>
        %dma_wait3A_48 = tpu.memref_squeeze %dma_wait3A_47 : memref<1x65536xf32, #tpu.memory_space<hbm>> -> memref<65536xf32, #tpu.memory_space<hbm>>
        %dma_wait3A_49 = tpu.memref_slice %arg8[%mul3A_2] : memref<1048576xf32, #tpu.memory_space<vmem_shared>> -> memref<65536xf32, #tpu.memory_space<vmem_shared>>
        tpu.wait_dma2 semaphore(%run_scoped3A : memref<!tpu.dma_semaphore, #tpu.memory_space<semaphore_mem>>) src(%dma_wait3A_49 : memref<65536xf32, #tpu.memory_space<vmem_shared>>) dst(%dma_wait3A_48 : memref<65536xf32, #tpu.memory_space<hbm>>)
        tpu.yield
      }) : () -> ()
      %scan3A_43 = arith.constant 0 : i32
      scf.yield %scan3A_43 : i32
    }
    %scan3A_22 = arith.constant 8 : i32
    return
  }
}

module attributes {stable_mosaic.version = 14 : i64} {
  func.func @_gnn_kernel(%arg0: i32, %arg1: memref<8x32x128xf32, #tpu.memory_space<vmem>>, %arg2: memref<8x96x128xf32, #tpu.memory_space<vmem>>, %arg3: memref<8x128x512xf32, #tpu.memory_space<vmem>>, %arg4: memref<4x128x128xf32, #tpu.memory_space<vmem>>, %arg5: memref<4x128xf32, #tpu.memory_space<vmem>>, %arg6: memref<128x384xf32, #tpu.memory_space<vmem>>, %arg7: memref<128x384xf32, #tpu.memory_space<vmem>>, %arg8: memref<1x384xf32, #tpu.memory_space<vmem>>, %arg9: memref<1x384xf32, #tpu.memory_space<vmem>>, %arg10: memref<8x128x128xf32, #tpu.memory_space<vmem>>) attributes {dimension_semantics = [#tpu.dimension_semantics<arbitrary>], iteration_bounds = array<i64: 32>, scalar_prefetch = 0 : i64, scratch_operands = 0 : i64, tpu.core_type = #tpu.core_type<tc>, window_params = [{transform_indices = @transform_0, window_bounds = array<i64: 8, 32, 128>}, {transform_indices = @transform_1, window_bounds = array<i64: 8, 96, 128>}, {transform_indices = @transform_2, window_bounds = array<i64: 8, 128, 512>}, {pipeline_mode = #tpu.pipeline_mode<synchronous>, transform_indices = @transform_3, window_bounds = array<i64: 4, 128, 128>}, {pipeline_mode = #tpu.pipeline_mode<synchronous>, transform_indices = @transform_4, window_bounds = array<i64: 4, 128>}, {pipeline_mode = #tpu.pipeline_mode<synchronous>, transform_indices = @transform_5, window_bounds = array<i64: 128, 384>}, {pipeline_mode = #tpu.pipeline_mode<synchronous>, transform_indices = @transform_6, window_bounds = array<i64: 128, 384>}, {pipeline_mode = #tpu.pipeline_mode<synchronous>, transform_indices = @transform_7, window_bounds = array<i64: 1, 384>}, {pipeline_mode = #tpu.pipeline_mode<synchronous>, transform_indices = @transform_8, window_bounds = array<i64: 1, 384>}, {transform_indices = @transform_9, window_bounds = array<i64: 8, 128, 128>}]} {
    %get3A = arith.constant 0 : index
    %get3A_0 = arith.constant 0 : index
    %get3A_1 = arith.constant 0 : index
    %get3A_2 = vector.load %arg1[%get3A, %get3A_0, %get3A_1] : memref<8x32x128xf32, #tpu.memory_space<vmem>>, vector<8x32x128xf32>
    %get3A_3 = arith.constant 0 : index
    %get3A_4 = arith.constant 0 : index
    %get3A_5 = arith.constant 0 : index
    %get3A_6 = vector.load %arg2[%get3A_3, %get3A_4, %get3A_5] : memref<8x96x128xf32, #tpu.memory_space<vmem>>, vector<8x96x128xf32>
    %concatenate3A = tpu.concatenate %get3A_2, %get3A_6 in 1 : vector<8x32x128xf32>, vector<8x96x128xf32> -> vector<8x128x128xf32>
    %reshape3A = vector.shape_cast %concatenate3A : vector<8x128x128xf32> to vector<1024x128xf32>
    %get3A_7 = arith.constant 0 : index
    %get3A_8 = arith.constant 0 : index
    %get3A_9 = arith.constant 0 : index
    %get3A_10 = vector.load %arg4[%get3A_7, %get3A_8, %get3A_9] : memref<4x128x128xf32, #tpu.memory_space<vmem>>, vector<4x128x128xf32>
    %convert_element_type3A = arith.truncf %get3A_10 : vector<4x128x128xf32> to vector<4x128x128xbf16>
    %get3A_11 = arith.constant 0 : index
    %get3A_12 = arith.constant 0 : index
    %get3A_13 = vector.load %arg5[%get3A_11, %get3A_12] : memref<4x128xf32, #tpu.memory_space<vmem>>, vector<4x128xf32>
    %get3A_14 = arith.constant 0 : index
    %get3A_15 = arith.constant 0 : index
    %get3A_16 = vector.load %arg6[%get3A_14, %get3A_15] : memref<128x384xf32, #tpu.memory_space<vmem>>, vector<128x384xf32>
    %convert_element_type3A_17 = arith.truncf %get3A_16 : vector<128x384xf32> to vector<128x384xbf16>
    %get3A_18 = arith.constant 0 : index
    %get3A_19 = arith.constant 0 : index
    %get3A_20 = vector.load %arg7[%get3A_18, %get3A_19] : memref<128x384xf32, #tpu.memory_space<vmem>>, vector<128x384xf32>
    %convert_element_type3A_21 = arith.truncf %get3A_20 : vector<128x384xf32> to vector<128x384xbf16>
    %get3A_22 = arith.constant 0 : index
    %get3A_23 = arith.constant 0 : index
    %get3A_24 = vector.load %arg8[%get3A_22, %get3A_23] : memref<1x384xf32, #tpu.memory_space<vmem>>, vector<1x384xf32>
    %get3A_25 = arith.constant 0 : index
    %get3A_26 = arith.constant 0 : index
    %get3A_27 = vector.load %arg9[%get3A_25, %get3A_26] : memref<1x384xf32, #tpu.memory_space<vmem>>, vector<1x384xf32>
    %get3A_28 = arith.constant 0 : index
    %get3A_29 = arith.constant 0 : index
    %get3A_30 = arith.constant 0 : index
    %get3A_31 = vector.load %arg3[%get3A_28, %get3A_29, %get3A_30] : memref<8x128x512xf32, #tpu.memory_space<vmem>>, vector<8x128x512xf32>
    %convert_element_type3A_32 = arith.truncf %get3A_31 : vector<8x128x512xf32> to vector<8x128x512xbf16>
    %convert_element_type3A_33 = arith.truncf %reshape3A : vector<1024x128xf32> to vector<1024x128xbf16>
    %slice3A = vector.extract_strided_slice %convert_element_type3A {offsets = [0, 0, 0], sizes = [1, 128, 128], strides = [1, 1, 1]} : vector<4x128x128xbf16> to vector<1x128x128xbf16>
    %squeeze3A = vector.shape_cast %slice3A : vector<1x128x128xbf16> to vector<128x128xbf16>
    %dot_general3A = arith.constant dense<0.000000e+00> : vector<1024x128xf32>
    %dot_general3A_34 = tpu.matmul %convert_element_type3A_33, %squeeze3A, %dot_general3A {dimension_numbers = #tpu.dot_dimension_numbers<[1], [0], [0], [1], [0, 0, 1, 1], [], []>, transpose_lhs_hint = false} : vector<1024x128xbf16>, vector<128x128xbf16>, vector<1024x128xf32> -> vector<1024x128xf32>
    %slice3A_35 = vector.extract_strided_slice %get3A_13 {offsets = [0, 0], sizes = [1, 128], strides = [1, 1]} : vector<4x128xf32> to vector<1x128xf32>
    %squeeze3A_36 = vector.shape_cast %slice3A_35 : vector<1x128xf32> to vector<128xf32>
    %broadcast_in_dim3A = vector.shape_cast %squeeze3A_36 : vector<128xf32> to vector<1x128xf32>
    %add3A = vector.broadcast %broadcast_in_dim3A : vector<1x128xf32> to vector<1024x128xf32>
    %add3A_37 = arith.addf %dot_general3A_34, %add3A : vector<1024x128xf32>
    %slice3A_38 = vector.extract_strided_slice %convert_element_type3A {offsets = [1, 0, 0], sizes = [1, 128, 128], strides = [1, 1, 1]} : vector<4x128x128xbf16> to vector<1x128x128xbf16>
    %squeeze3A_39 = vector.shape_cast %slice3A_38 : vector<1x128x128xbf16> to vector<128x128xbf16>
    %dot_general3A_40 = arith.constant dense<0.000000e+00> : vector<1024x128xf32>
    %dot_general3A_41 = tpu.matmul %convert_element_type3A_33, %squeeze3A_39, %dot_general3A_40 {dimension_numbers = #tpu.dot_dimension_numbers<[1], [0], [0], [1], [0, 0, 1, 1], [], []>, transpose_lhs_hint = false} : vector<1024x128xbf16>, vector<128x128xbf16>, vector<1024x128xf32> -> vector<1024x128xf32>
    %slice3A_42 = vector.extract_strided_slice %get3A_13 {offsets = [1, 0], sizes = [1, 128], strides = [1, 1]} : vector<4x128xf32> to vector<1x128xf32>
    %squeeze3A_43 = vector.shape_cast %slice3A_42 : vector<1x128xf32> to vector<128xf32>
    %broadcast_in_dim3A_44 = vector.shape_cast %squeeze3A_43 : vector<128xf32> to vector<1x128xf32>
    %add3A_45 = vector.broadcast %broadcast_in_dim3A_44 : vector<1x128xf32> to vector<1024x128xf32>
    %add3A_46 = arith.addf %dot_general3A_41, %add3A_45 : vector<1024x128xf32>
    %slice3A_47 = vector.extract_strided_slice %convert_element_type3A {offsets = [2, 0, 0], sizes = [1, 128, 128], strides = [1, 1, 1]} : vector<4x128x128xbf16> to vector<1x128x128xbf16>
    %squeeze3A_48 = vector.shape_cast %slice3A_47 : vector<1x128x128xbf16> to vector<128x128xbf16>
    %dot_general3A_49 = arith.constant dense<0.000000e+00> : vector<1024x128xf32>
    %dot_general3A_50 = tpu.matmul %convert_element_type3A_33, %squeeze3A_48, %dot_general3A_49 {dimension_numbers = #tpu.dot_dimension_numbers<[1], [0], [0], [1], [0, 0, 1, 1], [], []>, transpose_lhs_hint = false} : vector<1024x128xbf16>, vector<128x128xbf16>, vector<1024x128xf32> -> vector<1024x128xf32>
    %slice3A_51 = vector.extract_strided_slice %get3A_13 {offsets = [2, 0], sizes = [1, 128], strides = [1, 1]} : vector<4x128xf32> to vector<1x128xf32>
    %squeeze3A_52 = vector.shape_cast %slice3A_51 : vector<1x128xf32> to vector<128xf32>
    %broadcast_in_dim3A_53 = vector.shape_cast %squeeze3A_52 : vector<128xf32> to vector<1x128xf32>
    %add3A_54 = vector.broadcast %broadcast_in_dim3A_53 : vector<1x128xf32> to vector<1024x128xf32>
    %add3A_55 = arith.addf %dot_general3A_50, %add3A_54 : vector<1024x128xf32>
    %slice3A_56 = vector.extract_strided_slice %convert_element_type3A {offsets = [3, 0, 0], sizes = [1, 128, 128], strides = [1, 1, 1]} : vector<4x128x128xbf16> to vector<1x128x128xbf16>
    %squeeze3A_57 = vector.shape_cast %slice3A_56 : vector<1x128x128xbf16> to vector<128x128xbf16>
    %dot_general3A_58 = arith.constant dense<0.000000e+00> : vector<1024x128xf32>
    %dot_general3A_59 = tpu.matmul %convert_element_type3A_33, %squeeze3A_57, %dot_general3A_58 {dimension_numbers = #tpu.dot_dimension_numbers<[1], [0], [0], [1], [0, 0, 1, 1], [], []>, transpose_lhs_hint = false} : vector<1024x128xbf16>, vector<128x128xbf16>, vector<1024x128xf32> -> vector<1024x128xf32>
    %slice3A_60 = vector.extract_strided_slice %get3A_13 {offsets = [3, 0], sizes = [1, 128], strides = [1, 1]} : vector<4x128xf32> to vector<1x128xf32>
    %squeeze3A_61 = vector.shape_cast %slice3A_60 : vector<1x128xf32> to vector<128xf32>
    %broadcast_in_dim3A_62 = vector.shape_cast %squeeze3A_61 : vector<128xf32> to vector<1x128xf32>
    %add3A_63 = vector.broadcast %broadcast_in_dim3A_62 : vector<1x128xf32> to vector<1024x128xf32>
    %add3A_64 = arith.addf %dot_general3A_59, %add3A_63 : vector<1024x128xf32>
    %slice3A_65 = vector.extract_strided_slice %add3A_37 {offsets = [0, 0], sizes = [128, 128], strides = [1, 1]} : vector<1024x128xf32> to vector<128x128xf32>
    %slice3A_66 = vector.extract_strided_slice %add3A_46 {offsets = [0, 0], sizes = [128, 128], strides = [1, 1]} : vector<1024x128xf32> to vector<128x128xf32>
    %slice3A_67 = vector.extract_strided_slice %add3A_55 {offsets = [0, 0], sizes = [128, 128], strides = [1, 1]} : vector<1024x128xf32> to vector<128x128xf32>
    %slice3A_68 = vector.extract_strided_slice %add3A_64 {offsets = [0, 0], sizes = [128, 128], strides = [1, 1]} : vector<1024x128xf32> to vector<128x128xf32>
    %concatenate3A_69 = tpu.concatenate %slice3A_65, %slice3A_66, %slice3A_67, %slice3A_68 in 0 : vector<128x128xf32>, vector<128x128xf32>, vector<128x128xf32>, vector<128x128xf32> -> vector<512x128xf32>
    %convert_element_type3A_70 = arith.truncf %concatenate3A_69 : vector<512x128xf32> to vector<512x128xbf16>
    %slice3A_71 = vector.extract_strided_slice %convert_element_type3A_32 {offsets = [0, 0, 0], sizes = [1, 128, 512], strides = [1, 1, 1]} : vector<8x128x512xbf16> to vector<1x128x512xbf16>
    %squeeze3A_72 = vector.shape_cast %slice3A_71 : vector<1x128x512xbf16> to vector<128x512xbf16>
    %dot_general3A_73 = arith.constant dense<0.000000e+00> : vector<128x128xf32>
    %dot_general3A_74 = tpu.matmul %squeeze3A_72, %convert_element_type3A_70, %dot_general3A_73 {dimension_numbers = #tpu.dot_dimension_numbers<[1], [0], [0], [1], [0, 0, 1, 1], [], []>, transpose_lhs_hint = false} : vector<128x512xbf16>, vector<512x128xbf16>, vector<128x128xf32> -> vector<128x128xf32>
    %slice3A_75 = vector.extract_strided_slice %add3A_37 {offsets = [128, 0], sizes = [128, 128], strides = [1, 1]} : vector<1024x128xf32> to vector<128x128xf32>
    %slice3A_76 = vector.extract_strided_slice %add3A_46 {offsets = [128, 0], sizes = [128, 128], strides = [1, 1]} : vector<1024x128xf32> to vector<128x128xf32>
    %slice3A_77 = vector.extract_strided_slice %add3A_55 {offsets = [128, 0], sizes = [128, 128], strides = [1, 1]} : vector<1024x128xf32> to vector<128x128xf32>
    %slice3A_78 = vector.extract_strided_slice %add3A_64 {offsets = [128, 0], sizes = [128, 128], strides = [1, 1]} : vector<1024x128xf32> to vector<128x128xf32>
    %concatenate3A_79 = tpu.concatenate %slice3A_75, %slice3A_76, %slice3A_77, %slice3A_78 in 0 : vector<128x128xf32>, vector<128x128xf32>, vector<128x128xf32>, vector<128x128xf32> -> vector<512x128xf32>
    %convert_element_type3A_80 = arith.truncf %concatenate3A_79 : vector<512x128xf32> to vector<512x128xbf16>
    %slice3A_81 = vector.extract_strided_slice %convert_element_type3A_32 {offsets = [1, 0, 0], sizes = [1, 128, 512], strides = [1, 1, 1]} : vector<8x128x512xbf16> to vector<1x128x512xbf16>
    %squeeze3A_82 = vector.shape_cast %slice3A_81 : vector<1x128x512xbf16> to vector<128x512xbf16>
    %dot_general3A_83 = arith.constant dense<0.000000e+00> : vector<128x128xf32>
    %dot_general3A_84 = tpu.matmul %squeeze3A_82, %convert_element_type3A_80, %dot_general3A_83 {dimension_numbers = #tpu.dot_dimension_numbers<[1], [0], [0], [1], [0, 0, 1, 1], [], []>, transpose_lhs_hint = false} : vector<128x512xbf16>, vector<512x128xbf16>, vector<128x128xf32> -> vector<128x128xf32>
    %slice3A_85 = vector.extract_strided_slice %add3A_37 {offsets = [256, 0], sizes = [128, 128], strides = [1, 1]} : vector<1024x128xf32> to vector<128x128xf32>
    %slice3A_86 = vector.extract_strided_slice %add3A_46 {offsets = [256, 0], sizes = [128, 128], strides = [1, 1]} : vector<1024x128xf32> to vector<128x128xf32>
    %slice3A_87 = vector.extract_strided_slice %add3A_55 {offsets = [256, 0], sizes = [128, 128], strides = [1, 1]} : vector<1024x128xf32> to vector<128x128xf32>
    %slice3A_88 = vector.extract_strided_slice %add3A_64 {offsets = [256, 0], sizes = [128, 128], strides = [1, 1]} : vector<1024x128xf32> to vector<128x128xf32>
    %concatenate3A_89 = tpu.concatenate %slice3A_85, %slice3A_86, %slice3A_87, %slice3A_88 in 0 : vector<128x128xf32>, vector<128x128xf32>, vector<128x128xf32>, vector<128x128xf32> -> vector<512x128xf32>
    %convert_element_type3A_90 = arith.truncf %concatenate3A_89 : vector<512x128xf32> to vector<512x128xbf16>
    %slice3A_91 = vector.extract_strided_slice %convert_element_type3A_32 {offsets = [2, 0, 0], sizes = [1, 128, 512], strides = [1, 1, 1]} : vector<8x128x512xbf16> to vector<1x128x512xbf16>
    %squeeze3A_92 = vector.shape_cast %slice3A_91 : vector<1x128x512xbf16> to vector<128x512xbf16>
    %dot_general3A_93 = arith.constant dense<0.000000e+00> : vector<128x128xf32>
    %dot_general3A_94 = tpu.matmul %squeeze3A_92, %convert_element_type3A_90, %dot_general3A_93 {dimension_numbers = #tpu.dot_dimension_numbers<[1], [0], [0], [1], [0, 0, 1, 1], [], []>, transpose_lhs_hint = false} : vector<128x512xbf16>, vector<512x128xbf16>, vector<128x128xf32> -> vector<128x128xf32>
    %slice3A_95 = vector.extract_strided_slice %add3A_37 {offsets = [384, 0], sizes = [128, 128], strides = [1, 1]} : vector<1024x128xf32> to vector<128x128xf32>
    %slice3A_96 = vector.extract_strided_slice %add3A_46 {offsets = [384, 0], sizes = [128, 128], strides = [1, 1]} : vector<1024x128xf32> to vector<128x128xf32>
    %slice3A_97 = vector.extract_strided_slice %add3A_55 {offsets = [384, 0], sizes = [128, 128], strides = [1, 1]} : vector<1024x128xf32> to vector<128x128xf32>
    %slice3A_98 = vector.extract_strided_slice %add3A_64 {offsets = [384, 0], sizes = [128, 128], strides = [1, 1]} : vector<1024x128xf32> to vector<128x128xf32>
    %concatenate3A_99 = tpu.concatenate %slice3A_95, %slice3A_96, %slice3A_97, %slice3A_98 in 0 : vector<128x128xf32>, vector<128x128xf32>, vector<128x128xf32>, vector<128x128xf32> -> vector<512x128xf32>
    %convert_element_type3A_100 = arith.truncf %concatenate3A_99 : vector<512x128xf32> to vector<512x128xbf16>
    %slice3A_101 = vector.extract_strided_slice %convert_element_type3A_32 {offsets = [3, 0, 0], sizes = [1, 128, 512], strides = [1, 1, 1]} : vector<8x128x512xbf16> to vector<1x128x512xbf16>
    %squeeze3A_102 = vector.shape_cast %slice3A_101 : vector<1x128x512xbf16> to vector<128x512xbf16>
    %dot_general3A_103 = arith.constant dense<0.000000e+00> : vector<128x128xf32>
    %dot_general3A_104 = tpu.matmul %squeeze3A_102, %convert_element_type3A_100, %dot_general3A_103 {dimension_numbers = #tpu.dot_dimension_numbers<[1], [0], [0], [1], [0, 0, 1, 1], [], []>, transpose_lhs_hint = false} : vector<128x512xbf16>, vector<512x128xbf16>, vector<128x128xf32> -> vector<128x128xf32>
    %slice3A_105 = vector.extract_strided_slice %add3A_37 {offsets = [512, 0], sizes = [128, 128], strides = [1, 1]} : vector<1024x128xf32> to vector<128x128xf32>
    %slice3A_106 = vector.extract_strided_slice %add3A_46 {offsets = [512, 0], sizes = [128, 128], strides = [1, 1]} : vector<1024x128xf32> to vector<128x128xf32>
    %slice3A_107 = vector.extract_strided_slice %add3A_55 {offsets = [512, 0], sizes = [128, 128], strides = [1, 1]} : vector<1024x128xf32> to vector<128x128xf32>
    %slice3A_108 = vector.extract_strided_slice %add3A_64 {offsets = [512, 0], sizes = [128, 128], strides = [1, 1]} : vector<1024x128xf32> to vector<128x128xf32>
    %concatenate3A_109 = tpu.concatenate %slice3A_105, %slice3A_106, %slice3A_107, %slice3A_108 in 0 : vector<128x128xf32>, vector<128x128xf32>, vector<128x128xf32>, vector<128x128xf32> -> vector<512x128xf32>
    %convert_element_type3A_110 = arith.truncf %concatenate3A_109 : vector<512x128xf32> to vector<512x128xbf16>
    %slice3A_111 = vector.extract_strided_slice %convert_element_type3A_32 {offsets = [4, 0, 0], sizes = [1, 128, 512], strides = [1, 1, 1]} : vector<8x128x512xbf16> to vector<1x128x512xbf16>
    %squeeze3A_112 = vector.shape_cast %slice3A_111 : vector<1x128x512xbf16> to vector<128x512xbf16>
    %dot_general3A_113 = arith.constant dense<0.000000e+00> : vector<128x128xf32>
    %dot_general3A_114 = tpu.matmul %squeeze3A_112, %convert_element_type3A_110, %dot_general3A_113 {dimension_numbers = #tpu.dot_dimension_numbers<[1], [0], [0], [1], [0, 0, 1, 1], [], []>, transpose_lhs_hint = false} : vector<128x512xbf16>, vector<512x128xbf16>, vector<128x128xf32> -> vector<128x128xf32>
    %slice3A_115 = vector.extract_strided_slice %add3A_37 {offsets = [640, 0], sizes = [128, 128], strides = [1, 1]} : vector<1024x128xf32> to vector<128x128xf32>
    %slice3A_116 = vector.extract_strided_slice %add3A_46 {offsets = [640, 0], sizes = [128, 128], strides = [1, 1]} : vector<1024x128xf32> to vector<128x128xf32>
    %slice3A_117 = vector.extract_strided_slice %add3A_55 {offsets = [640, 0], sizes = [128, 128], strides = [1, 1]} : vector<1024x128xf32> to vector<128x128xf32>
    %slice3A_118 = vector.extract_strided_slice %add3A_64 {offsets = [640, 0], sizes = [128, 128], strides = [1, 1]} : vector<1024x128xf32> to vector<128x128xf32>
    %concatenate3A_119 = tpu.concatenate %slice3A_115, %slice3A_116, %slice3A_117, %slice3A_118 in 0 : vector<128x128xf32>, vector<128x128xf32>, vector<128x128xf32>, vector<128x128xf32> -> vector<512x128xf32>
    %convert_element_type3A_120 = arith.truncf %concatenate3A_119 : vector<512x128xf32> to vector<512x128xbf16>
    %slice3A_121 = vector.extract_strided_slice %convert_element_type3A_32 {offsets = [5, 0, 0], sizes = [1, 128, 512], strides = [1, 1, 1]} : vector<8x128x512xbf16> to vector<1x128x512xbf16>
    %squeeze3A_122 = vector.shape_cast %slice3A_121 : vector<1x128x512xbf16> to vector<128x512xbf16>
    %dot_general3A_123 = arith.constant dense<0.000000e+00> : vector<128x128xf32>
    %dot_general3A_124 = tpu.matmul %squeeze3A_122, %convert_element_type3A_120, %dot_general3A_123 {dimension_numbers = #tpu.dot_dimension_numbers<[1], [0], [0], [1], [0, 0, 1, 1], [], []>, transpose_lhs_hint = false} : vector<128x512xbf16>, vector<512x128xbf16>, vector<128x128xf32> -> vector<128x128xf32>
    %slice3A_125 = vector.extract_strided_slice %add3A_37 {offsets = [768, 0], sizes = [128, 128], strides = [1, 1]} : vector<1024x128xf32> to vector<128x128xf32>
    %slice3A_126 = vector.extract_strided_slice %add3A_46 {offsets = [768, 0], sizes = [128, 128], strides = [1, 1]} : vector<1024x128xf32> to vector<128x128xf32>
    %slice3A_127 = vector.extract_strided_slice %add3A_55 {offsets = [768, 0], sizes = [128, 128], strides = [1, 1]} : vector<1024x128xf32> to vector<128x128xf32>
    %slice3A_128 = vector.extract_strided_slice %add3A_64 {offsets = [768, 0], sizes = [128, 128], strides = [1, 1]} : vector<1024x128xf32> to vector<128x128xf32>
    %concatenate3A_129 = tpu.concatenate %slice3A_125, %slice3A_126, %slice3A_127, %slice3A_128 in 0 : vector<128x128xf32>, vector<128x128xf32>, vector<128x128xf32>, vector<128x128xf32> -> vector<512x128xf32>
    %convert_element_type3A_130 = arith.truncf %concatenate3A_129 : vector<512x128xf32> to vector<512x128xbf16>
    %slice3A_131 = vector.extract_strided_slice %convert_element_type3A_32 {offsets = [6, 0, 0], sizes = [1, 128, 512], strides = [1, 1, 1]} : vector<8x128x512xbf16> to vector<1x128x512xbf16>
    %squeeze3A_132 = vector.shape_cast %slice3A_131 : vector<1x128x512xbf16> to vector<128x512xbf16>
    %dot_general3A_133 = arith.constant dense<0.000000e+00> : vector<128x128xf32>
    %dot_general3A_134 = tpu.matmul %squeeze3A_132, %convert_element_type3A_130, %dot_general3A_133 {dimension_numbers = #tpu.dot_dimension_numbers<[1], [0], [0], [1], [0, 0, 1, 1], [], []>, transpose_lhs_hint = false} : vector<128x512xbf16>, vector<512x128xbf16>, vector<128x128xf32> -> vector<128x128xf32>
    %slice3A_135 = vector.extract_strided_slice %add3A_37 {offsets = [896, 0], sizes = [128, 128], strides = [1, 1]} : vector<1024x128xf32> to vector<128x128xf32>
    %slice3A_136 = vector.extract_strided_slice %add3A_46 {offsets = [896, 0], sizes = [128, 128], strides = [1, 1]} : vector<1024x128xf32> to vector<128x128xf32>
    %slice3A_137 = vector.extract_strided_slice %add3A_55 {offsets = [896, 0], sizes = [128, 128], strides = [1, 1]} : vector<1024x128xf32> to vector<128x128xf32>
    %slice3A_138 = vector.extract_strided_slice %add3A_64 {offsets = [896, 0], sizes = [128, 128], strides = [1, 1]} : vector<1024x128xf32> to vector<128x128xf32>
    %concatenate3A_139 = tpu.concatenate %slice3A_135, %slice3A_136, %slice3A_137, %slice3A_138 in 0 : vector<128x128xf32>, vector<128x128xf32>, vector<128x128xf32>, vector<128x128xf32> -> vector<512x128xf32>
    %convert_element_type3A_140 = arith.truncf %concatenate3A_139 : vector<512x128xf32> to vector<512x128xbf16>
    %slice3A_141 = vector.extract_strided_slice %convert_element_type3A_32 {offsets = [7, 0, 0], sizes = [1, 128, 512], strides = [1, 1, 1]} : vector<8x128x512xbf16> to vector<1x128x512xbf16>
    %squeeze3A_142 = vector.shape_cast %slice3A_141 : vector<1x128x512xbf16> to vector<128x512xbf16>
    %dot_general3A_143 = arith.constant dense<0.000000e+00> : vector<128x128xf32>
    %dot_general3A_144 = tpu.matmul %squeeze3A_142, %convert_element_type3A_140, %dot_general3A_143 {dimension_numbers = #tpu.dot_dimension_numbers<[1], [0], [0], [1], [0, 0, 1, 1], [], []>, transpose_lhs_hint = false} : vector<128x512xbf16>, vector<512x128xbf16>, vector<128x128xf32> -> vector<128x128xf32>
    %concatenate3A_145 = tpu.concatenate %dot_general3A_74, %dot_general3A_84, %dot_general3A_94, %dot_general3A_104, %dot_general3A_114, %dot_general3A_124, %dot_general3A_134, %dot_general3A_144 in 0 : vector<128x128xf32>, vector<128x128xf32>, vector<128x128xf32>, vector<128x128xf32>, vector<128x128xf32>, vector<128x128xf32>, vector<128x128xf32>, vector<128x128xf32> -> vector<1024x128xf32>
    %convert_element_type3A_146 = arith.truncf %concatenate3A_145 : vector<1024x128xf32> to vector<1024x128xbf16>
    %dot_general3A_147 = arith.constant dense<0.000000e+00> : vector<1024x384xf32>
    %dot_general3A_148 = tpu.matmul %convert_element_type3A_146, %convert_element_type3A_17, %dot_general3A_147 {dimension_numbers = #tpu.dot_dimension_numbers<[1], [0], [0], [1], [0, 0, 1, 1], [], []>, transpose_lhs_hint = false} : vector<1024x128xbf16>, vector<128x384xbf16>, vector<1024x384xf32> -> vector<1024x384xf32>
    %add3A_149 = vector.broadcast %get3A_24 : vector<1x384xf32> to vector<1024x384xf32>
    %add3A_150 = arith.addf %dot_general3A_148, %add3A_149 : vector<1024x384xf32>
    %dot_general3A_151 = arith.constant dense<0.000000e+00> : vector<1024x384xf32>
    %dot_general3A_152 = tpu.matmul %convert_element_type3A_33, %convert_element_type3A_21, %dot_general3A_151 {dimension_numbers = #tpu.dot_dimension_numbers<[1], [0], [0], [1], [0, 0, 1, 1], [], []>, transpose_lhs_hint = false} : vector<1024x128xbf16>, vector<128x384xbf16>, vector<1024x384xf32> -> vector<1024x384xf32>
    %add3A_153 = vector.broadcast %get3A_27 : vector<1x384xf32> to vector<1024x384xf32>
    %add3A_154 = arith.addf %dot_general3A_152, %add3A_153 : vector<1024x384xf32>
    %slice3A_155 = vector.extract_strided_slice %add3A_150 {offsets = [0, 0], sizes = [1024, 128], strides = [1, 1]} : vector<1024x384xf32> to vector<1024x128xf32>
    %slice3A_156 = vector.extract_strided_slice %add3A_154 {offsets = [0, 0], sizes = [1024, 128], strides = [1, 1]} : vector<1024x384xf32> to vector<1024x128xf32>
    %add3A_157 = arith.addf %slice3A_155, %slice3A_156 : vector<1024x128xf32>
    %logistic3A = arith.negf %add3A_157 : vector<1024x128xf32>
    %logistic3A_158 = math.exp %logistic3A : vector<1024x128xf32>
    %logistic3A_159 = arith.constant 1.000000e+00 : f32
    %logistic3A_160 = vector.broadcast %logistic3A_159 : f32 to vector<1024x128xf32>
    %logistic3A_161 = arith.addf %logistic3A_160, %logistic3A_158 : vector<1024x128xf32>
    %logistic3A_162 = arith.divf %logistic3A_160, %logistic3A_161 : vector<1024x128xf32>
    %slice3A_163 = vector.extract_strided_slice %add3A_150 {offsets = [0, 128], sizes = [1024, 128], strides = [1, 1]} : vector<1024x384xf32> to vector<1024x128xf32>
    %slice3A_164 = vector.extract_strided_slice %add3A_154 {offsets = [0, 128], sizes = [1024, 128], strides = [1, 1]} : vector<1024x384xf32> to vector<1024x128xf32>
    %add3A_165 = arith.addf %slice3A_163, %slice3A_164 : vector<1024x128xf32>
    %logistic3A_166 = arith.negf %add3A_165 : vector<1024x128xf32>
    %logistic3A_167 = math.exp %logistic3A_166 : vector<1024x128xf32>
    %logistic3A_168 = arith.constant 1.000000e+00 : f32
    %logistic3A_169 = vector.broadcast %logistic3A_168 : f32 to vector<1024x128xf32>
    %logistic3A_170 = arith.addf %logistic3A_169, %logistic3A_167 : vector<1024x128xf32>
    %logistic3A_171 = arith.divf %logistic3A_169, %logistic3A_170 : vector<1024x128xf32>
    %slice3A_172 = vector.extract_strided_slice %add3A_150 {offsets = [0, 256], sizes = [1024, 128], strides = [1, 1]} : vector<1024x384xf32> to vector<1024x128xf32>
    %slice3A_173 = vector.extract_strided_slice %add3A_154 {offsets = [0, 256], sizes = [1024, 128], strides = [1, 1]} : vector<1024x384xf32> to vector<1024x128xf32>
    %mul3A = arith.mulf %logistic3A_162, %slice3A_173 : vector<1024x128xf32>
    %add3A_174 = arith.addf %slice3A_172, %mul3A : vector<1024x128xf32>
    %tanh3A = math.tanh %add3A_174 : vector<1024x128xf32>
    %sub3A = arith.constant 1.000000e+00 : f32
    %sub3A_175 = vector.broadcast %sub3A : f32 to vector<1024x128xf32>
    %sub3A_176 = arith.subf %sub3A_175, %logistic3A_171 : vector<1024x128xf32>
    %mul3A_177 = arith.mulf %sub3A_176, %tanh3A : vector<1024x128xf32>
    %mul3A_178 = arith.mulf %logistic3A_171, %reshape3A : vector<1024x128xf32>
    %add3A_179 = arith.addf %mul3A_177, %mul3A_178 : vector<1024x128xf32>
    %convert_element_type3A_180 = arith.truncf %add3A_179 : vector<1024x128xf32> to vector<1024x128xbf16>
    %slice3A_181 = vector.extract_strided_slice %convert_element_type3A {offsets = [0, 0, 0], sizes = [1, 128, 128], strides = [1, 1, 1]} : vector<4x128x128xbf16> to vector<1x128x128xbf16>
    %squeeze3A_182 = vector.shape_cast %slice3A_181 : vector<1x128x128xbf16> to vector<128x128xbf16>
    %dot_general3A_183 = arith.constant dense<0.000000e+00> : vector<1024x128xf32>
    %dot_general3A_184 = tpu.matmul %convert_element_type3A_180, %squeeze3A_182, %dot_general3A_183 {dimension_numbers = #tpu.dot_dimension_numbers<[1], [0], [0], [1], [0, 0, 1, 1], [], []>, transpose_lhs_hint = false} : vector<1024x128xbf16>, vector<128x128xbf16>, vector<1024x128xf32> -> vector<1024x128xf32>
    %slice3A_185 = vector.extract_strided_slice %get3A_13 {offsets = [0, 0], sizes = [1, 128], strides = [1, 1]} : vector<4x128xf32> to vector<1x128xf32>
    %squeeze3A_186 = vector.shape_cast %slice3A_185 : vector<1x128xf32> to vector<128xf32>
    %broadcast_in_dim3A_187 = vector.shape_cast %squeeze3A_186 : vector<128xf32> to vector<1x128xf32>
    %add3A_188 = vector.broadcast %broadcast_in_dim3A_187 : vector<1x128xf32> to vector<1024x128xf32>
    %add3A_189 = arith.addf %dot_general3A_184, %add3A_188 : vector<1024x128xf32>
    %slice3A_190 = vector.extract_strided_slice %convert_element_type3A {offsets = [1, 0, 0], sizes = [1, 128, 128], strides = [1, 1, 1]} : vector<4x128x128xbf16> to vector<1x128x128xbf16>
    %squeeze3A_191 = vector.shape_cast %slice3A_190 : vector<1x128x128xbf16> to vector<128x128xbf16>
    %dot_general3A_192 = arith.constant dense<0.000000e+00> : vector<1024x128xf32>
    %dot_general3A_193 = tpu.matmul %convert_element_type3A_180, %squeeze3A_191, %dot_general3A_192 {dimension_numbers = #tpu.dot_dimension_numbers<[1], [0], [0], [1], [0, 0, 1, 1], [], []>, transpose_lhs_hint = false} : vector<1024x128xbf16>, vector<128x128xbf16>, vector<1024x128xf32> -> vector<1024x128xf32>
    %slice3A_194 = vector.extract_strided_slice %get3A_13 {offsets = [1, 0], sizes = [1, 128], strides = [1, 1]} : vector<4x128xf32> to vector<1x128xf32>
    %squeeze3A_195 = vector.shape_cast %slice3A_194 : vector<1x128xf32> to vector<128xf32>
    %broadcast_in_dim3A_196 = vector.shape_cast %squeeze3A_195 : vector<128xf32> to vector<1x128xf32>
    %add3A_197 = vector.broadcast %broadcast_in_dim3A_196 : vector<1x128xf32> to vector<1024x128xf32>
    %add3A_198 = arith.addf %dot_general3A_193, %add3A_197 : vector<1024x128xf32>
    %slice3A_199 = vector.extract_strided_slice %convert_element_type3A {offsets = [2, 0, 0], sizes = [1, 128, 128], strides = [1, 1, 1]} : vector<4x128x128xbf16> to vector<1x128x128xbf16>
    %squeeze3A_200 = vector.shape_cast %slice3A_199 : vector<1x128x128xbf16> to vector<128x128xbf16>
    %dot_general3A_201 = arith.constant dense<0.000000e+00> : vector<1024x128xf32>
    %dot_general3A_202 = tpu.matmul %convert_element_type3A_180, %squeeze3A_200, %dot_general3A_201 {dimension_numbers = #tpu.dot_dimension_numbers<[1], [0], [0], [1], [0, 0, 1, 1], [], []>, transpose_lhs_hint = false} : vector<1024x128xbf16>, vector<128x128xbf16>, vector<1024x128xf32> -> vector<1024x128xf32>
    %slice3A_203 = vector.extract_strided_slice %get3A_13 {offsets = [2, 0], sizes = [1, 128], strides = [1, 1]} : vector<4x128xf32> to vector<1x128xf32>
    %squeeze3A_204 = vector.shape_cast %slice3A_203 : vector<1x128xf32> to vector<128xf32>
    %broadcast_in_dim3A_205 = vector.shape_cast %squeeze3A_204 : vector<128xf32> to vector<1x128xf32>
    %add3A_206 = vector.broadcast %broadcast_in_dim3A_205 : vector<1x128xf32> to vector<1024x128xf32>
    %add3A_207 = arith.addf %dot_general3A_202, %add3A_206 : vector<1024x128xf32>
    %slice3A_208 = vector.extract_strided_slice %convert_element_type3A {offsets = [3, 0, 0], sizes = [1, 128, 128], strides = [1, 1, 1]} : vector<4x128x128xbf16> to vector<1x128x128xbf16>
    %squeeze3A_209 = vector.shape_cast %slice3A_208 : vector<1x128x128xbf16> to vector<128x128xbf16>
    %dot_general3A_210 = arith.constant dense<0.000000e+00> : vector<1024x128xf32>
    %dot_general3A_211 = tpu.matmul %convert_element_type3A_180, %squeeze3A_209, %dot_general3A_210 {dimension_numbers = #tpu.dot_dimension_numbers<[1], [0], [0], [1], [0, 0, 1, 1], [], []>, transpose_lhs_hint = false} : vector<1024x128xbf16>, vector<128x128xbf16>, vector<1024x128xf32> -> vector<1024x128xf32>
    %slice3A_212 = vector.extract_strided_slice %get3A_13 {offsets = [3, 0], sizes = [1, 128], strides = [1, 1]} : vector<4x128xf32> to vector<1x128xf32>
    %squeeze3A_213 = vector.shape_cast %slice3A_212 : vector<1x128xf32> to vector<128xf32>
    %broadcast_in_dim3A_214 = vector.shape_cast %squeeze3A_213 : vector<128xf32> to vector<1x128xf32>
    %add3A_215 = vector.broadcast %broadcast_in_dim3A_214 : vector<1x128xf32> to vector<1024x128xf32>
    %add3A_216 = arith.addf %dot_general3A_211, %add3A_215 : vector<1024x128xf32>
    %slice3A_217 = vector.extract_strided_slice %add3A_189 {offsets = [0, 0], sizes = [128, 128], strides = [1, 1]} : vector<1024x128xf32> to vector<128x128xf32>
    %slice3A_218 = vector.extract_strided_slice %add3A_198 {offsets = [0, 0], sizes = [128, 128], strides = [1, 1]} : vector<1024x128xf32> to vector<128x128xf32>
    %slice3A_219 = vector.extract_strided_slice %add3A_207 {offsets = [0, 0], sizes = [128, 128], strides = [1, 1]} : vector<1024x128xf32> to vector<128x128xf32>
    %slice3A_220 = vector.extract_strided_slice %add3A_216 {offsets = [0, 0], sizes = [128, 128], strides = [1, 1]} : vector<1024x128xf32> to vector<128x128xf32>
    %concatenate3A_221 = tpu.concatenate %slice3A_217, %slice3A_218, %slice3A_219, %slice3A_220 in 0 : vector<128x128xf32>, vector<128x128xf32>, vector<128x128xf32>, vector<128x128xf32> -> vector<512x128xf32>
    %convert_element_type3A_222 = arith.truncf %concatenate3A_221 : vector<512x128xf32> to vector<512x128xbf16>
    %slice3A_223 = vector.extract_strided_slice %convert_element_type3A_32 {offsets = [0, 0, 0], sizes = [1, 128, 512], strides = [1, 1, 1]} : vector<8x128x512xbf16> to vector<1x128x512xbf16>
    %squeeze3A_224 = vector.shape_cast %slice3A_223 : vector<1x128x512xbf16> to vector<128x512xbf16>
    %dot_general3A_225 = arith.constant dense<0.000000e+00> : vector<128x128xf32>
    %dot_general3A_226 = tpu.matmul %squeeze3A_224, %convert_element_type3A_222, %dot_general3A_225 {dimension_numbers = #tpu.dot_dimension_numbers<[1], [0], [0], [1], [0, 0, 1, 1], [], []>, transpose_lhs_hint = false} : vector<128x512xbf16>, vector<512x128xbf16>, vector<128x128xf32> -> vector<128x128xf32>
    %slice3A_227 = vector.extract_strided_slice %add3A_189 {offsets = [128, 0], sizes = [128, 128], strides = [1, 1]} : vector<1024x128xf32> to vector<128x128xf32>
    %slice3A_228 = vector.extract_strided_slice %add3A_198 {offsets = [128, 0], sizes = [128, 128], strides = [1, 1]} : vector<1024x128xf32> to vector<128x128xf32>
    %slice3A_229 = vector.extract_strided_slice %add3A_207 {offsets = [128, 0], sizes = [128, 128], strides = [1, 1]} : vector<1024x128xf32> to vector<128x128xf32>
    %slice3A_230 = vector.extract_strided_slice %add3A_216 {offsets = [128, 0], sizes = [128, 128], strides = [1, 1]} : vector<1024x128xf32> to vector<128x128xf32>
    %concatenate3A_231 = tpu.concatenate %slice3A_227, %slice3A_228, %slice3A_229, %slice3A_230 in 0 : vector<128x128xf32>, vector<128x128xf32>, vector<128x128xf32>, vector<128x128xf32> -> vector<512x128xf32>
    %convert_element_type3A_232 = arith.truncf %concatenate3A_231 : vector<512x128xf32> to vector<512x128xbf16>
    %slice3A_233 = vector.extract_strided_slice %convert_element_type3A_32 {offsets = [1, 0, 0], sizes = [1, 128, 512], strides = [1, 1, 1]} : vector<8x128x512xbf16> to vector<1x128x512xbf16>
    %squeeze3A_234 = vector.shape_cast %slice3A_233 : vector<1x128x512xbf16> to vector<128x512xbf16>
    %dot_general3A_235 = arith.constant dense<0.000000e+00> : vector<128x128xf32>
    %dot_general3A_236 = tpu.matmul %squeeze3A_234, %convert_element_type3A_232, %dot_general3A_235 {dimension_numbers = #tpu.dot_dimension_numbers<[1], [0], [0], [1], [0, 0, 1, 1], [], []>, transpose_lhs_hint = false} : vector<128x512xbf16>, vector<512x128xbf16>, vector<128x128xf32> -> vector<128x128xf32>
    %slice3A_237 = vector.extract_strided_slice %add3A_189 {offsets = [256, 0], sizes = [128, 128], strides = [1, 1]} : vector<1024x128xf32> to vector<128x128xf32>
    %slice3A_238 = vector.extract_strided_slice %add3A_198 {offsets = [256, 0], sizes = [128, 128], strides = [1, 1]} : vector<1024x128xf32> to vector<128x128xf32>
    %slice3A_239 = vector.extract_strided_slice %add3A_207 {offsets = [256, 0], sizes = [128, 128], strides = [1, 1]} : vector<1024x128xf32> to vector<128x128xf32>
    %slice3A_240 = vector.extract_strided_slice %add3A_216 {offsets = [256, 0], sizes = [128, 128], strides = [1, 1]} : vector<1024x128xf32> to vector<128x128xf32>
    %concatenate3A_241 = tpu.concatenate %slice3A_237, %slice3A_238, %slice3A_239, %slice3A_240 in 0 : vector<128x128xf32>, vector<128x128xf32>, vector<128x128xf32>, vector<128x128xf32> -> vector<512x128xf32>
    %convert_element_type3A_242 = arith.truncf %concatenate3A_241 : vector<512x128xf32> to vector<512x128xbf16>
    %slice3A_243 = vector.extract_strided_slice %convert_element_type3A_32 {offsets = [2, 0, 0], sizes = [1, 128, 512], strides = [1, 1, 1]} : vector<8x128x512xbf16> to vector<1x128x512xbf16>
    %squeeze3A_244 = vector.shape_cast %slice3A_243 : vector<1x128x512xbf16> to vector<128x512xbf16>
    %dot_general3A_245 = arith.constant dense<0.000000e+00> : vector<128x128xf32>
    %dot_general3A_246 = tpu.matmul %squeeze3A_244, %convert_element_type3A_242, %dot_general3A_245 {dimension_numbers = #tpu.dot_dimension_numbers<[1], [0], [0], [1], [0, 0, 1, 1], [], []>, transpose_lhs_hint = false} : vector<128x512xbf16>, vector<512x128xbf16>, vector<128x128xf32> -> vector<128x128xf32>
    %slice3A_247 = vector.extract_strided_slice %add3A_189 {offsets = [384, 0], sizes = [128, 128], strides = [1, 1]} : vector<1024x128xf32> to vector<128x128xf32>
    %slice3A_248 = vector.extract_strided_slice %add3A_198 {offsets = [384, 0], sizes = [128, 128], strides = [1, 1]} : vector<1024x128xf32> to vector<128x128xf32>
    %slice3A_249 = vector.extract_strided_slice %add3A_207 {offsets = [384, 0], sizes = [128, 128], strides = [1, 1]} : vector<1024x128xf32> to vector<128x128xf32>
    %slice3A_250 = vector.extract_strided_slice %add3A_216 {offsets = [384, 0], sizes = [128, 128], strides = [1, 1]} : vector<1024x128xf32> to vector<128x128xf32>
    %concatenate3A_251 = tpu.concatenate %slice3A_247, %slice3A_248, %slice3A_249, %slice3A_250 in 0 : vector<128x128xf32>, vector<128x128xf32>, vector<128x128xf32>, vector<128x128xf32> -> vector<512x128xf32>
    %convert_element_type3A_252 = arith.truncf %concatenate3A_251 : vector<512x128xf32> to vector<512x128xbf16>
    %slice3A_253 = vector.extract_strided_slice %convert_element_type3A_32 {offsets = [3, 0, 0], sizes = [1, 128, 512], strides = [1, 1, 1]} : vector<8x128x512xbf16> to vector<1x128x512xbf16>
    %squeeze3A_254 = vector.shape_cast %slice3A_253 : vector<1x128x512xbf16> to vector<128x512xbf16>
    %dot_general3A_255 = arith.constant dense<0.000000e+00> : vector<128x128xf32>
    %dot_general3A_256 = tpu.matmul %squeeze3A_254, %convert_element_type3A_252, %dot_general3A_255 {dimension_numbers = #tpu.dot_dimension_numbers<[1], [0], [0], [1], [0, 0, 1, 1], [], []>, transpose_lhs_hint = false} : vector<128x512xbf16>, vector<512x128xbf16>, vector<128x128xf32> -> vector<128x128xf32>
    %slice3A_257 = vector.extract_strided_slice %add3A_189 {offsets = [512, 0], sizes = [128, 128], strides = [1, 1]} : vector<1024x128xf32> to vector<128x128xf32>
    %slice3A_258 = vector.extract_strided_slice %add3A_198 {offsets = [512, 0], sizes = [128, 128], strides = [1, 1]} : vector<1024x128xf32> to vector<128x128xf32>
    %slice3A_259 = vector.extract_strided_slice %add3A_207 {offsets = [512, 0], sizes = [128, 128], strides = [1, 1]} : vector<1024x128xf32> to vector<128x128xf32>
    %slice3A_260 = vector.extract_strided_slice %add3A_216 {offsets = [512, 0], sizes = [128, 128], strides = [1, 1]} : vector<1024x128xf32> to vector<128x128xf32>
    %concatenate3A_261 = tpu.concatenate %slice3A_257, %slice3A_258, %slice3A_259, %slice3A_260 in 0 : vector<128x128xf32>, vector<128x128xf32>, vector<128x128xf32>, vector<128x128xf32> -> vector<512x128xf32>
    %convert_element_type3A_262 = arith.truncf %concatenate3A_261 : vector<512x128xf32> to vector<512x128xbf16>
    %slice3A_263 = vector.extract_strided_slice %convert_element_type3A_32 {offsets = [4, 0, 0], sizes = [1, 128, 512], strides = [1, 1, 1]} : vector<8x128x512xbf16> to vector<1x128x512xbf16>
    %squeeze3A_264 = vector.shape_cast %slice3A_263 : vector<1x128x512xbf16> to vector<128x512xbf16>
    %dot_general3A_265 = arith.constant dense<0.000000e+00> : vector<128x128xf32>
    %dot_general3A_266 = tpu.matmul %squeeze3A_264, %convert_element_type3A_262, %dot_general3A_265 {dimension_numbers = #tpu.dot_dimension_numbers<[1], [0], [0], [1], [0, 0, 1, 1], [], []>, transpose_lhs_hint = false} : vector<128x512xbf16>, vector<512x128xbf16>, vector<128x128xf32> -> vector<128x128xf32>
    %slice3A_267 = vector.extract_strided_slice %add3A_189 {offsets = [640, 0], sizes = [128, 128], strides = [1, 1]} : vector<1024x128xf32> to vector<128x128xf32>
    %slice3A_268 = vector.extract_strided_slice %add3A_198 {offsets = [640, 0], sizes = [128, 128], strides = [1, 1]} : vector<1024x128xf32> to vector<128x128xf32>
    %slice3A_269 = vector.extract_strided_slice %add3A_207 {offsets = [640, 0], sizes = [128, 128], strides = [1, 1]} : vector<1024x128xf32> to vector<128x128xf32>
    %slice3A_270 = vector.extract_strided_slice %add3A_216 {offsets = [640, 0], sizes = [128, 128], strides = [1, 1]} : vector<1024x128xf32> to vector<128x128xf32>
    %concatenate3A_271 = tpu.concatenate %slice3A_267, %slice3A_268, %slice3A_269, %slice3A_270 in 0 : vector<128x128xf32>, vector<128x128xf32>, vector<128x128xf32>, vector<128x128xf32> -> vector<512x128xf32>
    %convert_element_type3A_272 = arith.truncf %concatenate3A_271 : vector<512x128xf32> to vector<512x128xbf16>
    %slice3A_273 = vector.extract_strided_slice %convert_element_type3A_32 {offsets = [5, 0, 0], sizes = [1, 128, 512], strides = [1, 1, 1]} : vector<8x128x512xbf16> to vector<1x128x512xbf16>
    %squeeze3A_274 = vector.shape_cast %slice3A_273 : vector<1x128x512xbf16> to vector<128x512xbf16>
    %dot_general3A_275 = arith.constant dense<0.000000e+00> : vector<128x128xf32>
    %dot_general3A_276 = tpu.matmul %squeeze3A_274, %convert_element_type3A_272, %dot_general3A_275 {dimension_numbers = #tpu.dot_dimension_numbers<[1], [0], [0], [1], [0, 0, 1, 1], [], []>, transpose_lhs_hint = false} : vector<128x512xbf16>, vector<512x128xbf16>, vector<128x128xf32> -> vector<128x128xf32>
    %slice3A_277 = vector.extract_strided_slice %add3A_189 {offsets = [768, 0], sizes = [128, 128], strides = [1, 1]} : vector<1024x128xf32> to vector<128x128xf32>
    %slice3A_278 = vector.extract_strided_slice %add3A_198 {offsets = [768, 0], sizes = [128, 128], strides = [1, 1]} : vector<1024x128xf32> to vector<128x128xf32>
    %slice3A_279 = vector.extract_strided_slice %add3A_207 {offsets = [768, 0], sizes = [128, 128], strides = [1, 1]} : vector<1024x128xf32> to vector<128x128xf32>
    %slice3A_280 = vector.extract_strided_slice %add3A_216 {offsets = [768, 0], sizes = [128, 128], strides = [1, 1]} : vector<1024x128xf32> to vector<128x128xf32>
    %concatenate3A_281 = tpu.concatenate %slice3A_277, %slice3A_278, %slice3A_279, %slice3A_280 in 0 : vector<128x128xf32>, vector<128x128xf32>, vector<128x128xf32>, vector<128x128xf32> -> vector<512x128xf32>
    %convert_element_type3A_282 = arith.truncf %concatenate3A_281 : vector<512x128xf32> to vector<512x128xbf16>
    %slice3A_283 = vector.extract_strided_slice %convert_element_type3A_32 {offsets = [6, 0, 0], sizes = [1, 128, 512], strides = [1, 1, 1]} : vector<8x128x512xbf16> to vector<1x128x512xbf16>
    %squeeze3A_284 = vector.shape_cast %slice3A_283 : vector<1x128x512xbf16> to vector<128x512xbf16>
    %dot_general3A_285 = arith.constant dense<0.000000e+00> : vector<128x128xf32>
    %dot_general3A_286 = tpu.matmul %squeeze3A_284, %convert_element_type3A_282, %dot_general3A_285 {dimension_numbers = #tpu.dot_dimension_numbers<[1], [0], [0], [1], [0, 0, 1, 1], [], []>, transpose_lhs_hint = false} : vector<128x512xbf16>, vector<512x128xbf16>, vector<128x128xf32> -> vector<128x128xf32>
    %slice3A_287 = vector.extract_strided_slice %add3A_189 {offsets = [896, 0], sizes = [128, 128], strides = [1, 1]} : vector<1024x128xf32> to vector<128x128xf32>
    %slice3A_288 = vector.extract_strided_slice %add3A_198 {offsets = [896, 0], sizes = [128, 128], strides = [1, 1]} : vector<1024x128xf32> to vector<128x128xf32>
    %slice3A_289 = vector.extract_strided_slice %add3A_207 {offsets = [896, 0], sizes = [128, 128], strides = [1, 1]} : vector<1024x128xf32> to vector<128x128xf32>
    %slice3A_290 = vector.extract_strided_slice %add3A_216 {offsets = [896, 0], sizes = [128, 128], strides = [1, 1]} : vector<1024x128xf32> to vector<128x128xf32>
    %concatenate3A_291 = tpu.concatenate %slice3A_287, %slice3A_288, %slice3A_289, %slice3A_290 in 0 : vector<128x128xf32>, vector<128x128xf32>, vector<128x128xf32>, vector<128x128xf32> -> vector<512x128xf32>
    %convert_element_type3A_292 = arith.truncf %concatenate3A_291 : vector<512x128xf32> to vector<512x128xbf16>
    %slice3A_293 = vector.extract_strided_slice %convert_element_type3A_32 {offsets = [7, 0, 0], sizes = [1, 128, 512], strides = [1, 1, 1]} : vector<8x128x512xbf16> to vector<1x128x512xbf16>
    %squeeze3A_294 = vector.shape_cast %slice3A_293 : vector<1x128x512xbf16> to vector<128x512xbf16>
    %dot_general3A_295 = arith.constant dense<0.000000e+00> : vector<128x128xf32>
    %dot_general3A_296 = tpu.matmul %squeeze3A_294, %convert_element_type3A_292, %dot_general3A_295 {dimension_numbers = #tpu.dot_dimension_numbers<[1], [0], [0], [1], [0, 0, 1, 1], [], []>, transpose_lhs_hint = false} : vector<128x512xbf16>, vector<512x128xbf16>, vector<128x128xf32> -> vector<128x128xf32>
    %concatenate3A_297 = tpu.concatenate %dot_general3A_226, %dot_general3A_236, %dot_general3A_246, %dot_general3A_256, %dot_general3A_266, %dot_general3A_276, %dot_general3A_286, %dot_general3A_296 in 0 : vector<128x128xf32>, vector<128x128xf32>, vector<128x128xf32>, vector<128x128xf32>, vector<128x128xf32>, vector<128x128xf32>, vector<128x128xf32>, vector<128x128xf32> -> vector<1024x128xf32>
    %convert_element_type3A_298 = arith.truncf %concatenate3A_297 : vector<1024x128xf32> to vector<1024x128xbf16>
    %dot_general3A_299 = arith.constant dense<0.000000e+00> : vector<1024x384xf32>
    %dot_general3A_300 = tpu.matmul %convert_element_type3A_298, %convert_element_type3A_17, %dot_general3A_299 {dimension_numbers = #tpu.dot_dimension_numbers<[1], [0], [0], [1], [0, 0, 1, 1], [], []>, transpose_lhs_hint = false} : vector<1024x128xbf16>, vector<128x384xbf16>, vector<1024x384xf32> -> vector<1024x384xf32>
    %add3A_301 = vector.broadcast %get3A_24 : vector<1x384xf32> to vector<1024x384xf32>
    %add3A_302 = arith.addf %dot_general3A_300, %add3A_301 : vector<1024x384xf32>
    %dot_general3A_303 = arith.constant dense<0.000000e+00> : vector<1024x384xf32>
    %dot_general3A_304 = tpu.matmul %convert_element_type3A_180, %convert_element_type3A_21, %dot_general3A_303 {dimension_numbers = #tpu.dot_dimension_numbers<[1], [0], [0], [1], [0, 0, 1, 1], [], []>, transpose_lhs_hint = false} : vector<1024x128xbf16>, vector<128x384xbf16>, vector<1024x384xf32> -> vector<1024x384xf32>
    %add3A_305 = vector.broadcast %get3A_27 : vector<1x384xf32> to vector<1024x384xf32>
    %add3A_306 = arith.addf %dot_general3A_304, %add3A_305 : vector<1024x384xf32>
    %slice3A_307 = vector.extract_strided_slice %add3A_302 {offsets = [0, 0], sizes = [1024, 128], strides = [1, 1]} : vector<1024x384xf32> to vector<1024x128xf32>
    %slice3A_308 = vector.extract_strided_slice %add3A_306 {offsets = [0, 0], sizes = [1024, 128], strides = [1, 1]} : vector<1024x384xf32> to vector<1024x128xf32>
    %add3A_309 = arith.addf %slice3A_307, %slice3A_308 : vector<1024x128xf32>
    %logistic3A_310 = arith.negf %add3A_309 : vector<1024x128xf32>
    %logistic3A_311 = math.exp %logistic3A_310 : vector<1024x128xf32>
    %logistic3A_312 = arith.constant 1.000000e+00 : f32
    %logistic3A_313 = vector.broadcast %logistic3A_312 : f32 to vector<1024x128xf32>
    %logistic3A_314 = arith.addf %logistic3A_313, %logistic3A_311 : vector<1024x128xf32>
    %logistic3A_315 = arith.divf %logistic3A_313, %logistic3A_314 : vector<1024x128xf32>
    %slice3A_316 = vector.extract_strided_slice %add3A_302 {offsets = [0, 128], sizes = [1024, 128], strides = [1, 1]} : vector<1024x384xf32> to vector<1024x128xf32>
    %slice3A_317 = vector.extract_strided_slice %add3A_306 {offsets = [0, 128], sizes = [1024, 128], strides = [1, 1]} : vector<1024x384xf32> to vector<1024x128xf32>
    %add3A_318 = arith.addf %slice3A_316, %slice3A_317 : vector<1024x128xf32>
    %logistic3A_319 = arith.negf %add3A_318 : vector<1024x128xf32>
    %logistic3A_320 = math.exp %logistic3A_319 : vector<1024x128xf32>
    %logistic3A_321 = arith.constant 1.000000e+00 : f32
    %logistic3A_322 = vector.broadcast %logistic3A_321 : f32 to vector<1024x128xf32>
    %logistic3A_323 = arith.addf %logistic3A_322, %logistic3A_320 : vector<1024x128xf32>
    %logistic3A_324 = arith.divf %logistic3A_322, %logistic3A_323 : vector<1024x128xf32>
    %slice3A_325 = vector.extract_strided_slice %add3A_302 {offsets = [0, 256], sizes = [1024, 128], strides = [1, 1]} : vector<1024x384xf32> to vector<1024x128xf32>
    %slice3A_326 = vector.extract_strided_slice %add3A_306 {offsets = [0, 256], sizes = [1024, 128], strides = [1, 1]} : vector<1024x384xf32> to vector<1024x128xf32>
    %mul3A_327 = arith.mulf %logistic3A_315, %slice3A_326 : vector<1024x128xf32>
    %add3A_328 = arith.addf %slice3A_325, %mul3A_327 : vector<1024x128xf32>
    %tanh3A_329 = math.tanh %add3A_328 : vector<1024x128xf32>
    %sub3A_330 = arith.constant 1.000000e+00 : f32
    %sub3A_331 = vector.broadcast %sub3A_330 : f32 to vector<1024x128xf32>
    %sub3A_332 = arith.subf %sub3A_331, %logistic3A_324 : vector<1024x128xf32>
    %mul3A_333 = arith.mulf %sub3A_332, %tanh3A_329 : vector<1024x128xf32>
    %mul3A_334 = arith.mulf %logistic3A_324, %add3A_179 : vector<1024x128xf32>
    %add3A_335 = arith.addf %mul3A_333, %mul3A_334 : vector<1024x128xf32>
    %convert_element_type3A_336 = arith.truncf %add3A_335 : vector<1024x128xf32> to vector<1024x128xbf16>
    %slice3A_337 = vector.extract_strided_slice %convert_element_type3A {offsets = [0, 0, 0], sizes = [1, 128, 128], strides = [1, 1, 1]} : vector<4x128x128xbf16> to vector<1x128x128xbf16>
    %squeeze3A_338 = vector.shape_cast %slice3A_337 : vector<1x128x128xbf16> to vector<128x128xbf16>
    %dot_general3A_339 = arith.constant dense<0.000000e+00> : vector<1024x128xf32>
    %dot_general3A_340 = tpu.matmul %convert_element_type3A_336, %squeeze3A_338, %dot_general3A_339 {dimension_numbers = #tpu.dot_dimension_numbers<[1], [0], [0], [1], [0, 0, 1, 1], [], []>, transpose_lhs_hint = false} : vector<1024x128xbf16>, vector<128x128xbf16>, vector<1024x128xf32> -> vector<1024x128xf32>
    %slice3A_341 = vector.extract_strided_slice %get3A_13 {offsets = [0, 0], sizes = [1, 128], strides = [1, 1]} : vector<4x128xf32> to vector<1x128xf32>
    %squeeze3A_342 = vector.shape_cast %slice3A_341 : vector<1x128xf32> to vector<128xf32>
    %broadcast_in_dim3A_343 = vector.shape_cast %squeeze3A_342 : vector<128xf32> to vector<1x128xf32>
    %add3A_344 = vector.broadcast %broadcast_in_dim3A_343 : vector<1x128xf32> to vector<1024x128xf32>
    %add3A_345 = arith.addf %dot_general3A_340, %add3A_344 : vector<1024x128xf32>
    %slice3A_346 = vector.extract_strided_slice %convert_element_type3A {offsets = [1, 0, 0], sizes = [1, 128, 128], strides = [1, 1, 1]} : vector<4x128x128xbf16> to vector<1x128x128xbf16>
    %squeeze3A_347 = vector.shape_cast %slice3A_346 : vector<1x128x128xbf16> to vector<128x128xbf16>
    %dot_general3A_348 = arith.constant dense<0.000000e+00> : vector<1024x128xf32>
    %dot_general3A_349 = tpu.matmul %convert_element_type3A_336, %squeeze3A_347, %dot_general3A_348 {dimension_numbers = #tpu.dot_dimension_numbers<[1], [0], [0], [1], [0, 0, 1, 1], [], []>, transpose_lhs_hint = false} : vector<1024x128xbf16>, vector<128x128xbf16>, vector<1024x128xf32> -> vector<1024x128xf32>
    %slice3A_350 = vector.extract_strided_slice %get3A_13 {offsets = [1, 0], sizes = [1, 128], strides = [1, 1]} : vector<4x128xf32> to vector<1x128xf32>
    %squeeze3A_351 = vector.shape_cast %slice3A_350 : vector<1x128xf32> to vector<128xf32>
    %broadcast_in_dim3A_352 = vector.shape_cast %squeeze3A_351 : vector<128xf32> to vector<1x128xf32>
    %add3A_353 = vector.broadcast %broadcast_in_dim3A_352 : vector<1x128xf32> to vector<1024x128xf32>
    %add3A_354 = arith.addf %dot_general3A_349, %add3A_353 : vector<1024x128xf32>
    %slice3A_355 = vector.extract_strided_slice %convert_element_type3A {offsets = [2, 0, 0], sizes = [1, 128, 128], strides = [1, 1, 1]} : vector<4x128x128xbf16> to vector<1x128x128xbf16>
    %squeeze3A_356 = vector.shape_cast %slice3A_355 : vector<1x128x128xbf16> to vector<128x128xbf16>
    %dot_general3A_357 = arith.constant dense<0.000000e+00> : vector<1024x128xf32>
    %dot_general3A_358 = tpu.matmul %convert_element_type3A_336, %squeeze3A_356, %dot_general3A_357 {dimension_numbers = #tpu.dot_dimension_numbers<[1], [0], [0], [1], [0, 0, 1, 1], [], []>, transpose_lhs_hint = false} : vector<1024x128xbf16>, vector<128x128xbf16>, vector<1024x128xf32> -> vector<1024x128xf32>
    %slice3A_359 = vector.extract_strided_slice %get3A_13 {offsets = [2, 0], sizes = [1, 128], strides = [1, 1]} : vector<4x128xf32> to vector<1x128xf32>
    %squeeze3A_360 = vector.shape_cast %slice3A_359 : vector<1x128xf32> to vector<128xf32>
    %broadcast_in_dim3A_361 = vector.shape_cast %squeeze3A_360 : vector<128xf32> to vector<1x128xf32>
    %add3A_362 = vector.broadcast %broadcast_in_dim3A_361 : vector<1x128xf32> to vector<1024x128xf32>
    %add3A_363 = arith.addf %dot_general3A_358, %add3A_362 : vector<1024x128xf32>
    %slice3A_364 = vector.extract_strided_slice %convert_element_type3A {offsets = [3, 0, 0], sizes = [1, 128, 128], strides = [1, 1, 1]} : vector<4x128x128xbf16> to vector<1x128x128xbf16>
    %squeeze3A_365 = vector.shape_cast %slice3A_364 : vector<1x128x128xbf16> to vector<128x128xbf16>
    %dot_general3A_366 = arith.constant dense<0.000000e+00> : vector<1024x128xf32>
    %dot_general3A_367 = tpu.matmul %convert_element_type3A_336, %squeeze3A_365, %dot_general3A_366 {dimension_numbers = #tpu.dot_dimension_numbers<[1], [0], [0], [1], [0, 0, 1, 1], [], []>, transpose_lhs_hint = false} : vector<1024x128xbf16>, vector<128x128xbf16>, vector<1024x128xf32> -> vector<1024x128xf32>
    %slice3A_368 = vector.extract_strided_slice %get3A_13 {offsets = [3, 0], sizes = [1, 128], strides = [1, 1]} : vector<4x128xf32> to vector<1x128xf32>
    %squeeze3A_369 = vector.shape_cast %slice3A_368 : vector<1x128xf32> to vector<128xf32>
    %broadcast_in_dim3A_370 = vector.shape_cast %squeeze3A_369 : vector<128xf32> to vector<1x128xf32>
    %add3A_371 = vector.broadcast %broadcast_in_dim3A_370 : vector<1x128xf32> to vector<1024x128xf32>
    %add3A_372 = arith.addf %dot_general3A_367, %add3A_371 : vector<1024x128xf32>
    %slice3A_373 = vector.extract_strided_slice %add3A_345 {offsets = [0, 0], sizes = [128, 128], strides = [1, 1]} : vector<1024x128xf32> to vector<128x128xf32>
    %slice3A_374 = vector.extract_strided_slice %add3A_354 {offsets = [0, 0], sizes = [128, 128], strides = [1, 1]} : vector<1024x128xf32> to vector<128x128xf32>
    %slice3A_375 = vector.extract_strided_slice %add3A_363 {offsets = [0, 0], sizes = [128, 128], strides = [1, 1]} : vector<1024x128xf32> to vector<128x128xf32>
    %slice3A_376 = vector.extract_strided_slice %add3A_372 {offsets = [0, 0], sizes = [128, 128], strides = [1, 1]} : vector<1024x128xf32> to vector<128x128xf32>
    %concatenate3A_377 = tpu.concatenate %slice3A_373, %slice3A_374, %slice3A_375, %slice3A_376 in 0 : vector<128x128xf32>, vector<128x128xf32>, vector<128x128xf32>, vector<128x128xf32> -> vector<512x128xf32>
    %convert_element_type3A_378 = arith.truncf %concatenate3A_377 : vector<512x128xf32> to vector<512x128xbf16>
    %slice3A_379 = vector.extract_strided_slice %convert_element_type3A_32 {offsets = [0, 0, 0], sizes = [1, 128, 512], strides = [1, 1, 1]} : vector<8x128x512xbf16> to vector<1x128x512xbf16>
    %squeeze3A_380 = vector.shape_cast %slice3A_379 : vector<1x128x512xbf16> to vector<128x512xbf16>
    %dot_general3A_381 = arith.constant dense<0.000000e+00> : vector<128x128xf32>
    %dot_general3A_382 = tpu.matmul %squeeze3A_380, %convert_element_type3A_378, %dot_general3A_381 {dimension_numbers = #tpu.dot_dimension_numbers<[1], [0], [0], [1], [0, 0, 1, 1], [], []>, transpose_lhs_hint = false} : vector<128x512xbf16>, vector<512x128xbf16>, vector<128x128xf32> -> vector<128x128xf32>
    %slice3A_383 = vector.extract_strided_slice %add3A_345 {offsets = [128, 0], sizes = [128, 128], strides = [1, 1]} : vector<1024x128xf32> to vector<128x128xf32>
    %slice3A_384 = vector.extract_strided_slice %add3A_354 {offsets = [128, 0], sizes = [128, 128], strides = [1, 1]} : vector<1024x128xf32> to vector<128x128xf32>
    %slice3A_385 = vector.extract_strided_slice %add3A_363 {offsets = [128, 0], sizes = [128, 128], strides = [1, 1]} : vector<1024x128xf32> to vector<128x128xf32>
    %slice3A_386 = vector.extract_strided_slice %add3A_372 {offsets = [128, 0], sizes = [128, 128], strides = [1, 1]} : vector<1024x128xf32> to vector<128x128xf32>
    %concatenate3A_387 = tpu.concatenate %slice3A_383, %slice3A_384, %slice3A_385, %slice3A_386 in 0 : vector<128x128xf32>, vector<128x128xf32>, vector<128x128xf32>, vector<128x128xf32> -> vector<512x128xf32>
    %convert_element_type3A_388 = arith.truncf %concatenate3A_387 : vector<512x128xf32> to vector<512x128xbf16>
    %slice3A_389 = vector.extract_strided_slice %convert_element_type3A_32 {offsets = [1, 0, 0], sizes = [1, 128, 512], strides = [1, 1, 1]} : vector<8x128x512xbf16> to vector<1x128x512xbf16>
    %squeeze3A_390 = vector.shape_cast %slice3A_389 : vector<1x128x512xbf16> to vector<128x512xbf16>
    %dot_general3A_391 = arith.constant dense<0.000000e+00> : vector<128x128xf32>
    %dot_general3A_392 = tpu.matmul %squeeze3A_390, %convert_element_type3A_388, %dot_general3A_391 {dimension_numbers = #tpu.dot_dimension_numbers<[1], [0], [0], [1], [0, 0, 1, 1], [], []>, transpose_lhs_hint = false} : vector<128x512xbf16>, vector<512x128xbf16>, vector<128x128xf32> -> vector<128x128xf32>
    %slice3A_393 = vector.extract_strided_slice %add3A_345 {offsets = [256, 0], sizes = [128, 128], strides = [1, 1]} : vector<1024x128xf32> to vector<128x128xf32>
    %slice3A_394 = vector.extract_strided_slice %add3A_354 {offsets = [256, 0], sizes = [128, 128], strides = [1, 1]} : vector<1024x128xf32> to vector<128x128xf32>
    %slice3A_395 = vector.extract_strided_slice %add3A_363 {offsets = [256, 0], sizes = [128, 128], strides = [1, 1]} : vector<1024x128xf32> to vector<128x128xf32>
    %slice3A_396 = vector.extract_strided_slice %add3A_372 {offsets = [256, 0], sizes = [128, 128], strides = [1, 1]} : vector<1024x128xf32> to vector<128x128xf32>
    %concatenate3A_397 = tpu.concatenate %slice3A_393, %slice3A_394, %slice3A_395, %slice3A_396 in 0 : vector<128x128xf32>, vector<128x128xf32>, vector<128x128xf32>, vector<128x128xf32> -> vector<512x128xf32>
    %convert_element_type3A_398 = arith.truncf %concatenate3A_397 : vector<512x128xf32> to vector<512x128xbf16>
    %slice3A_399 = vector.extract_strided_slice %convert_element_type3A_32 {offsets = [2, 0, 0], sizes = [1, 128, 512], strides = [1, 1, 1]} : vector<8x128x512xbf16> to vector<1x128x512xbf16>
    %squeeze3A_400 = vector.shape_cast %slice3A_399 : vector<1x128x512xbf16> to vector<128x512xbf16>
    %dot_general3A_401 = arith.constant dense<0.000000e+00> : vector<128x128xf32>
    %dot_general3A_402 = tpu.matmul %squeeze3A_400, %convert_element_type3A_398, %dot_general3A_401 {dimension_numbers = #tpu.dot_dimension_numbers<[1], [0], [0], [1], [0, 0, 1, 1], [], []>, transpose_lhs_hint = false} : vector<128x512xbf16>, vector<512x128xbf16>, vector<128x128xf32> -> vector<128x128xf32>
    %slice3A_403 = vector.extract_strided_slice %add3A_345 {offsets = [384, 0], sizes = [128, 128], strides = [1, 1]} : vector<1024x128xf32> to vector<128x128xf32>
    %slice3A_404 = vector.extract_strided_slice %add3A_354 {offsets = [384, 0], sizes = [128, 128], strides = [1, 1]} : vector<1024x128xf32> to vector<128x128xf32>
    %slice3A_405 = vector.extract_strided_slice %add3A_363 {offsets = [384, 0], sizes = [128, 128], strides = [1, 1]} : vector<1024x128xf32> to vector<128x128xf32>
    %slice3A_406 = vector.extract_strided_slice %add3A_372 {offsets = [384, 0], sizes = [128, 128], strides = [1, 1]} : vector<1024x128xf32> to vector<128x128xf32>
    %concatenate3A_407 = tpu.concatenate %slice3A_403, %slice3A_404, %slice3A_405, %slice3A_406 in 0 : vector<128x128xf32>, vector<128x128xf32>, vector<128x128xf32>, vector<128x128xf32> -> vector<512x128xf32>
    %convert_element_type3A_408 = arith.truncf %concatenate3A_407 : vector<512x128xf32> to vector<512x128xbf16>
    %slice3A_409 = vector.extract_strided_slice %convert_element_type3A_32 {offsets = [3, 0, 0], sizes = [1, 128, 512], strides = [1, 1, 1]} : vector<8x128x512xbf16> to vector<1x128x512xbf16>
    %squeeze3A_410 = vector.shape_cast %slice3A_409 : vector<1x128x512xbf16> to vector<128x512xbf16>
    %dot_general3A_411 = arith.constant dense<0.000000e+00> : vector<128x128xf32>
    %dot_general3A_412 = tpu.matmul %squeeze3A_410, %convert_element_type3A_408, %dot_general3A_411 {dimension_numbers = #tpu.dot_dimension_numbers<[1], [0], [0], [1], [0, 0, 1, 1], [], []>, transpose_lhs_hint = false} : vector<128x512xbf16>, vector<512x128xbf16>, vector<128x128xf32> -> vector<128x128xf32>
    %slice3A_413 = vector.extract_strided_slice %add3A_345 {offsets = [512, 0], sizes = [128, 128], strides = [1, 1]} : vector<1024x128xf32> to vector<128x128xf32>
    %slice3A_414 = vector.extract_strided_slice %add3A_354 {offsets = [512, 0], sizes = [128, 128], strides = [1, 1]} : vector<1024x128xf32> to vector<128x128xf32>
    %slice3A_415 = vector.extract_strided_slice %add3A_363 {offsets = [512, 0], sizes = [128, 128], strides = [1, 1]} : vector<1024x128xf32> to vector<128x128xf32>
    %slice3A_416 = vector.extract_strided_slice %add3A_372 {offsets = [512, 0], sizes = [128, 128], strides = [1, 1]} : vector<1024x128xf32> to vector<128x128xf32>
    %concatenate3A_417 = tpu.concatenate %slice3A_413, %slice3A_414, %slice3A_415, %slice3A_416 in 0 : vector<128x128xf32>, vector<128x128xf32>, vector<128x128xf32>, vector<128x128xf32> -> vector<512x128xf32>
    %convert_element_type3A_418 = arith.truncf %concatenate3A_417 : vector<512x128xf32> to vector<512x128xbf16>
    %slice3A_419 = vector.extract_strided_slice %convert_element_type3A_32 {offsets = [4, 0, 0], sizes = [1, 128, 512], strides = [1, 1, 1]} : vector<8x128x512xbf16> to vector<1x128x512xbf16>
    %squeeze3A_420 = vector.shape_cast %slice3A_419 : vector<1x128x512xbf16> to vector<128x512xbf16>
    %dot_general3A_421 = arith.constant dense<0.000000e+00> : vector<128x128xf32>
    %dot_general3A_422 = tpu.matmul %squeeze3A_420, %convert_element_type3A_418, %dot_general3A_421 {dimension_numbers = #tpu.dot_dimension_numbers<[1], [0], [0], [1], [0, 0, 1, 1], [], []>, transpose_lhs_hint = false} : vector<128x512xbf16>, vector<512x128xbf16>, vector<128x128xf32> -> vector<128x128xf32>
    %slice3A_423 = vector.extract_strided_slice %add3A_345 {offsets = [640, 0], sizes = [128, 128], strides = [1, 1]} : vector<1024x128xf32> to vector<128x128xf32>
    %slice3A_424 = vector.extract_strided_slice %add3A_354 {offsets = [640, 0], sizes = [128, 128], strides = [1, 1]} : vector<1024x128xf32> to vector<128x128xf32>
    %slice3A_425 = vector.extract_strided_slice %add3A_363 {offsets = [640, 0], sizes = [128, 128], strides = [1, 1]} : vector<1024x128xf32> to vector<128x128xf32>
    %slice3A_426 = vector.extract_strided_slice %add3A_372 {offsets = [640, 0], sizes = [128, 128], strides = [1, 1]} : vector<1024x128xf32> to vector<128x128xf32>
    %concatenate3A_427 = tpu.concatenate %slice3A_423, %slice3A_424, %slice3A_425, %slice3A_426 in 0 : vector<128x128xf32>, vector<128x128xf32>, vector<128x128xf32>, vector<128x128xf32> -> vector<512x128xf32>
    %convert_element_type3A_428 = arith.truncf %concatenate3A_427 : vector<512x128xf32> to vector<512x128xbf16>
    %slice3A_429 = vector.extract_strided_slice %convert_element_type3A_32 {offsets = [5, 0, 0], sizes = [1, 128, 512], strides = [1, 1, 1]} : vector<8x128x512xbf16> to vector<1x128x512xbf16>
    %squeeze3A_430 = vector.shape_cast %slice3A_429 : vector<1x128x512xbf16> to vector<128x512xbf16>
    %dot_general3A_431 = arith.constant dense<0.000000e+00> : vector<128x128xf32>
    %dot_general3A_432 = tpu.matmul %squeeze3A_430, %convert_element_type3A_428, %dot_general3A_431 {dimension_numbers = #tpu.dot_dimension_numbers<[1], [0], [0], [1], [0, 0, 1, 1], [], []>, transpose_lhs_hint = false} : vector<128x512xbf16>, vector<512x128xbf16>, vector<128x128xf32> -> vector<128x128xf32>
    %slice3A_433 = vector.extract_strided_slice %add3A_345 {offsets = [768, 0], sizes = [128, 128], strides = [1, 1]} : vector<1024x128xf32> to vector<128x128xf32>
    %slice3A_434 = vector.extract_strided_slice %add3A_354 {offsets = [768, 0], sizes = [128, 128], strides = [1, 1]} : vector<1024x128xf32> to vector<128x128xf32>
    %slice3A_435 = vector.extract_strided_slice %add3A_363 {offsets = [768, 0], sizes = [128, 128], strides = [1, 1]} : vector<1024x128xf32> to vector<128x128xf32>
    %slice3A_436 = vector.extract_strided_slice %add3A_372 {offsets = [768, 0], sizes = [128, 128], strides = [1, 1]} : vector<1024x128xf32> to vector<128x128xf32>
    %concatenate3A_437 = tpu.concatenate %slice3A_433, %slice3A_434, %slice3A_435, %slice3A_436 in 0 : vector<128x128xf32>, vector<128x128xf32>, vector<128x128xf32>, vector<128x128xf32> -> vector<512x128xf32>
    %convert_element_type3A_438 = arith.truncf %concatenate3A_437 : vector<512x128xf32> to vector<512x128xbf16>
    %slice3A_439 = vector.extract_strided_slice %convert_element_type3A_32 {offsets = [6, 0, 0], sizes = [1, 128, 512], strides = [1, 1, 1]} : vector<8x128x512xbf16> to vector<1x128x512xbf16>
    %squeeze3A_440 = vector.shape_cast %slice3A_439 : vector<1x128x512xbf16> to vector<128x512xbf16>
    %dot_general3A_441 = arith.constant dense<0.000000e+00> : vector<128x128xf32>
    %dot_general3A_442 = tpu.matmul %squeeze3A_440, %convert_element_type3A_438, %dot_general3A_441 {dimension_numbers = #tpu.dot_dimension_numbers<[1], [0], [0], [1], [0, 0, 1, 1], [], []>, transpose_lhs_hint = false} : vector<128x512xbf16>, vector<512x128xbf16>, vector<128x128xf32> -> vector<128x128xf32>
    %slice3A_443 = vector.extract_strided_slice %add3A_345 {offsets = [896, 0], sizes = [128, 128], strides = [1, 1]} : vector<1024x128xf32> to vector<128x128xf32>
    %slice3A_444 = vector.extract_strided_slice %add3A_354 {offsets = [896, 0], sizes = [128, 128], strides = [1, 1]} : vector<1024x128xf32> to vector<128x128xf32>
    %slice3A_445 = vector.extract_strided_slice %add3A_363 {offsets = [896, 0], sizes = [128, 128], strides = [1, 1]} : vector<1024x128xf32> to vector<128x128xf32>
    %slice3A_446 = vector.extract_strided_slice %add3A_372 {offsets = [896, 0], sizes = [128, 128], strides = [1, 1]} : vector<1024x128xf32> to vector<128x128xf32>
    %concatenate3A_447 = tpu.concatenate %slice3A_443, %slice3A_444, %slice3A_445, %slice3A_446 in 0 : vector<128x128xf32>, vector<128x128xf32>, vector<128x128xf32>, vector<128x128xf32> -> vector<512x128xf32>
    %convert_element_type3A_448 = arith.truncf %concatenate3A_447 : vector<512x128xf32> to vector<512x128xbf16>
    %slice3A_449 = vector.extract_strided_slice %convert_element_type3A_32 {offsets = [7, 0, 0], sizes = [1, 128, 512], strides = [1, 1, 1]} : vector<8x128x512xbf16> to vector<1x128x512xbf16>
    %squeeze3A_450 = vector.shape_cast %slice3A_449 : vector<1x128x512xbf16> to vector<128x512xbf16>
    %dot_general3A_451 = arith.constant dense<0.000000e+00> : vector<128x128xf32>
    %dot_general3A_452 = tpu.matmul %squeeze3A_450, %convert_element_type3A_448, %dot_general3A_451 {dimension_numbers = #tpu.dot_dimension_numbers<[1], [0], [0], [1], [0, 0, 1, 1], [], []>, transpose_lhs_hint = false} : vector<128x512xbf16>, vector<512x128xbf16>, vector<128x128xf32> -> vector<128x128xf32>
    %concatenate3A_453 = tpu.concatenate %dot_general3A_382, %dot_general3A_392, %dot_general3A_402, %dot_general3A_412, %dot_general3A_422, %dot_general3A_432, %dot_general3A_442, %dot_general3A_452 in 0 : vector<128x128xf32>, vector<128x128xf32>, vector<128x128xf32>, vector<128x128xf32>, vector<128x128xf32>, vector<128x128xf32>, vector<128x128xf32>, vector<128x128xf32> -> vector<1024x128xf32>
    %convert_element_type3A_454 = arith.truncf %concatenate3A_453 : vector<1024x128xf32> to vector<1024x128xbf16>
    %dot_general3A_455 = arith.constant dense<0.000000e+00> : vector<1024x384xf32>
    %dot_general3A_456 = tpu.matmul %convert_element_type3A_454, %convert_element_type3A_17, %dot_general3A_455 {dimension_numbers = #tpu.dot_dimension_numbers<[1], [0], [0], [1], [0, 0, 1, 1], [], []>, transpose_lhs_hint = false} : vector<1024x128xbf16>, vector<128x384xbf16>, vector<1024x384xf32> -> vector<1024x384xf32>
    %add3A_457 = vector.broadcast %get3A_24 : vector<1x384xf32> to vector<1024x384xf32>
    %add3A_458 = arith.addf %dot_general3A_456, %add3A_457 : vector<1024x384xf32>
    %dot_general3A_459 = arith.constant dense<0.000000e+00> : vector<1024x384xf32>
    %dot_general3A_460 = tpu.matmul %convert_element_type3A_336, %convert_element_type3A_21, %dot_general3A_459 {dimension_numbers = #tpu.dot_dimension_numbers<[1], [0], [0], [1], [0, 0, 1, 1], [], []>, transpose_lhs_hint = false} : vector<1024x128xbf16>, vector<128x384xbf16>, vector<1024x384xf32> -> vector<1024x384xf32>
    %add3A_461 = vector.broadcast %get3A_27 : vector<1x384xf32> to vector<1024x384xf32>
    %add3A_462 = arith.addf %dot_general3A_460, %add3A_461 : vector<1024x384xf32>
    %slice3A_463 = vector.extract_strided_slice %add3A_458 {offsets = [0, 0], sizes = [1024, 128], strides = [1, 1]} : vector<1024x384xf32> to vector<1024x128xf32>
    %slice3A_464 = vector.extract_strided_slice %add3A_462 {offsets = [0, 0], sizes = [1024, 128], strides = [1, 1]} : vector<1024x384xf32> to vector<1024x128xf32>
    %add3A_465 = arith.addf %slice3A_463, %slice3A_464 : vector<1024x128xf32>
    %logistic3A_466 = arith.negf %add3A_465 : vector<1024x128xf32>
    %logistic3A_467 = math.exp %logistic3A_466 : vector<1024x128xf32>
    %logistic3A_468 = arith.constant 1.000000e+00 : f32
    %logistic3A_469 = vector.broadcast %logistic3A_468 : f32 to vector<1024x128xf32>
    %logistic3A_470 = arith.addf %logistic3A_469, %logistic3A_467 : vector<1024x128xf32>
    %logistic3A_471 = arith.divf %logistic3A_469, %logistic3A_470 : vector<1024x128xf32>
    %slice3A_472 = vector.extract_strided_slice %add3A_458 {offsets = [0, 128], sizes = [1024, 128], strides = [1, 1]} : vector<1024x384xf32> to vector<1024x128xf32>
    %slice3A_473 = vector.extract_strided_slice %add3A_462 {offsets = [0, 128], sizes = [1024, 128], strides = [1, 1]} : vector<1024x384xf32> to vector<1024x128xf32>
    %add3A_474 = arith.addf %slice3A_472, %slice3A_473 : vector<1024x128xf32>
    %logistic3A_475 = arith.negf %add3A_474 : vector<1024x128xf32>
    %logistic3A_476 = math.exp %logistic3A_475 : vector<1024x128xf32>
    %logistic3A_477 = arith.constant 1.000000e+00 : f32
    %logistic3A_478 = vector.broadcast %logistic3A_477 : f32 to vector<1024x128xf32>
    %logistic3A_479 = arith.addf %logistic3A_478, %logistic3A_476 : vector<1024x128xf32>
    %logistic3A_480 = arith.divf %logistic3A_478, %logistic3A_479 : vector<1024x128xf32>
    %slice3A_481 = vector.extract_strided_slice %add3A_458 {offsets = [0, 256], sizes = [1024, 128], strides = [1, 1]} : vector<1024x384xf32> to vector<1024x128xf32>
    %slice3A_482 = vector.extract_strided_slice %add3A_462 {offsets = [0, 256], sizes = [1024, 128], strides = [1, 1]} : vector<1024x384xf32> to vector<1024x128xf32>
    %mul3A_483 = arith.mulf %logistic3A_471, %slice3A_482 : vector<1024x128xf32>
    %add3A_484 = arith.addf %slice3A_481, %mul3A_483 : vector<1024x128xf32>
    %tanh3A_485 = math.tanh %add3A_484 : vector<1024x128xf32>
    %sub3A_486 = arith.constant 1.000000e+00 : f32
    %sub3A_487 = vector.broadcast %sub3A_486 : f32 to vector<1024x128xf32>
    %sub3A_488 = arith.subf %sub3A_487, %logistic3A_480 : vector<1024x128xf32>
    %mul3A_489 = arith.mulf %sub3A_488, %tanh3A_485 : vector<1024x128xf32>
    %mul3A_490 = arith.mulf %logistic3A_480, %add3A_335 : vector<1024x128xf32>
    %add3A_491 = arith.addf %mul3A_489, %mul3A_490 : vector<1024x128xf32>
    %reshape3A_492 = vector.shape_cast %add3A_491 : vector<1024x128xf32> to vector<8x128x128xf32>
    %swap3A = arith.constant 0 : index
    %swap3A_493 = arith.constant 0 : index
    %swap3A_494 = arith.constant 0 : index
    %swap3A_495 = vector.load %arg10[%swap3A, %swap3A_493, %swap3A_494] : memref<8x128x128xf32, #tpu.memory_space<vmem>>, vector<8x128x128xf32>
    tpu.vector_store %arg10[%swap3A, %swap3A_493, %swap3A_494], %reshape3A_492 {strides = array<i32>} : memref<8x128x128xf32, #tpu.memory_space<vmem>>, vector<8x128x128xf32>,
    return
  }
  func.func @transform_0(%arg0: i32) -> (i32, i32, i32) {
    %c0_i32 = arith.constant 0 : i32
    %c0_i32_0 = arith.constant 0 : i32
    %c0_i32_1 = arith.constant 0 : i32
    return %arg0, %c0_i32, %c0_i32_0 : i32, i32, i32
  }
  func.func @transform_1(%arg0: i32) -> (i32, i32, i32) {
    %c0_i32 = arith.constant 0 : i32
    %c0_i32_0 = arith.constant 0 : i32
    %c0_i32_1 = arith.constant 0 : i32
    return %arg0, %c0_i32, %c0_i32_0 : i32, i32, i32
  }
  func.func @transform_2(%arg0: i32) -> (i32, i32, i32) {
    %c0_i32 = arith.constant 0 : i32
    %c0_i32_0 = arith.constant 0 : i32
    %c0_i32_1 = arith.constant 0 : i32
    return %arg0, %c0_i32, %c0_i32_0 : i32, i32, i32
  }
  func.func @transform_3(%arg0: i32) -> (i32, i32, i32) {
    %c0_i32 = arith.constant 0 : i32
    %c0_i32_0 = arith.constant 0 : i32
    %c0_i32_1 = arith.constant 0 : i32
    %c0_i32_2 = arith.constant 0 : i32
    return %c0_i32, %c0_i32_0, %c0_i32_1 : i32, i32, i32
  }
  func.func @transform_4(%arg0: i32) -> (i32, i32) {
    %c0_i32 = arith.constant 0 : i32
    %c0_i32_0 = arith.constant 0 : i32
    %c0_i32_1 = arith.constant 0 : i32
    return %c0_i32, %c0_i32_0 : i32, i32
  }
  func.func @transform_5(%arg0: i32) -> (i32, i32) {
    %c0_i32 = arith.constant 0 : i32
    %c0_i32_0 = arith.constant 0 : i32
    %c0_i32_1 = arith.constant 0 : i32
    return %c0_i32, %c0_i32_0 : i32, i32
  }
  func.func @transform_6(%arg0: i32) -> (i32, i32) {
    %c0_i32 = arith.constant 0 : i32
    %c0_i32_0 = arith.constant 0 : i32
    %c0_i32_1 = arith.constant 0 : i32
    return %c0_i32, %c0_i32_0 : i32, i32
  }
  func.func @transform_7(%arg0: i32) -> (i32, i32) {
    %c0_i32 = arith.constant 0 : i32
    %c0_i32_0 = arith.constant 0 : i32
    %c0_i32_1 = arith.constant 0 : i32
    return %c0_i32, %c0_i32_0 : i32, i32
  }
  func.func @transform_8(%arg0: i32) -> (i32, i32) {
    %c0_i32 = arith.constant 0 : i32
    %c0_i32_0 = arith.constant 0 : i32
    %c0_i32_1 = arith.constant 0 : i32
    return %c0_i32, %c0_i32_0 : i32, i32
  }
  func.func @transform_9(%arg0: i32) -> (i32, i32, i32) {
    %c0_i32 = arith.constant 0 : i32
    %c0_i32_0 = arith.constant 0 : i32
    %c0_i32_1 = arith.constant 0 : i32
    return %arg0, %c0_i32, %c0_i32_0 : i32, i32, i32
  }
}

</mosaic_0001>

<sc_bundles>
// kernel: kernel.4.cloned.1.call-start
scs
__scs_entry_jumppad:
0x0: {  	(pc) =	sbr.rel $0x88, $3  }
0x1: {  	(tag) =	ssettag $0x0;
	lr =	simm.s32 $0x1  }
0x2: {  	[smem:$0x3F98] =	sst lr;
	_ =	strace $0xD0000000  }
0x3: {  	_ = 	snop  }
0x4: {  	_ = 	snop  }
0x5: {  	_ = 	snop  }
0x6: {  	_ = 	snop  }
0x7: {  	_ = 	snop  }
__scs_overlays_trampoline_lowered:
0x8: {  	[smem:$0x3FA7] =	sst s0  }
0x9: {  	[smem:$0x3FA8] =	sst s1  }
0xa: {  	[smem:$0x3FA9] =	sst s2  }
0xb: {  	[smem:$0x3FAA] =	sst s3  }
0xc: {  	[smem:$0x3FAB] =	sst s4  }
0xd: {  	[smem:$0x3FAC] =	sst s5  }
0xe: {  	[smem:$0x3FAD] =	sst s6  }
0xf: {  	[smem:$0x3FAE] =	sst s7  }
0x10: {  	[smem:$0x3FAF] =	sst s8  }
0x11: {  	[smem:$0x3FB0] =	sst s9;
	s0 =	simm.s32 @!p0 $0x0  }
0x12: {  	s1 =	sld [smem:$0x3F96];
	s0 =	simm.s32 @p0 $0x1  }
0x13: {  	[smem:$0x3FB1] =	sst s0;
	s0 =	simm.s32 @!p1 $0x0  }
0x14: {  	s2 =	sld [smem:$0x3F95];
	s0 =	simm.s32 @p1 $0x1  }
0x15: {  	[smem:$0x3FB2] =	sst s0;
	s0 =	simm.s32 @!p2 $0x0  }
0x16: {  	s3 =	sld [smem:$0x3FDB];
	s0 =	simm.s32 @p2 $0x1  }
0x17: {  	s4 =	simm.s32 $0x1BF5;
	[smem:$0x3FB4] =	sst s0  }
0x18: {  	s0 =	sld [smem:$0x3F97];
	_ =	swait.ge [sflag:s4], $0x0  }
0x19: {  	s7 =	sld [smem:$0x3F98]  }
0x1a: {  	s8 =	sadd.s32 $0xFFFFE003, lr  }
0x1b: {  	s9 =	sadd.s32 $0xFFFFFEF7, lr;
	s5 =	simm.s32 $0xFFFFFFFF;
	p2 =	slt.u32 s8, $0xFFFFF086  }
0x1c: {  	p1 =	slt.u32 s9, $0xF7A;
	s5 =	simm.s32 @!p2 $0x0  }
0x1d: {  	s5 =	simm.s32 @p1 $0x1;
	p0 =	seq.s32 s7, s2  }
0x1e: {  	s7 =	smul.u32 @!p0 $0xF7A, s2;
	p2 =	seq.s32 @!p0 s5, $0x0  }
0x1f: {  	s9 =	smul.u32 $0xF7A, s1;
	s8 =	simm.s32 @!p0 $0x1BF5;
	p2 =	por !p2, p0  }
0x20: {  	[sflag:s8] =	ssyncset.s32 @!p0 $0xFFFFF086;
	s6 =	sadd.s32 @!p0 s3, s7;
	s7 =	simm.s32 @!p0 $0x108  }
0x21: {  	s3 =	sadd.s32 s3, s9;
	s6 =	sadd.s32 @!p0 $0x88, s6;
	s7 =	simm.s32 @p2 $0x1082  }
0x22: {  	[simem:s7], [sflag:s8] =	dma.local @!p0 [hbm:s6], $0xF7A  }
0x23: {  	s9 =	sor.u32 $0xD0000000, s2;
	s6 =	simm.s32 $0x108;
	_ =	swait.ge @!p0 [sflag:s8], $0x0  }
0x24: {  	s3 =	sadd.s32 $0x88, s3;
	s6 =	simm.s32 @!p1 $0x1082;
	[sflag:s4] =	ssyncset.s32 $0xFFFFF086  }
0x25: {  	[simem:s6], [sflag:s4] =	dma.local [hbm:s3], $0xF7A  }
0x26: {  	[smem:$0x3F98] =	sst s1;
	(tag) =	ssettag s2;
	_ =	strace s9  }
0x27: {  	s1 =	sld [smem:$0x3FA8]  }
0x28: {  	s2 =	sld [smem:$0x3FA9]  }
0x29: {  	s4 =	sld [smem:$0x3FAB]  }
0x2a: {  	p0 =	seq.s32 s5, $0x0;
	s5 =	sld [smem:$0x3FAC]  }
0x2b: {  	s6 =	sld [smem:$0x3FAD]  }
0x2c: {  	s7 =	sld [smem:$0x3FAE]  }
0x2d: {  	s3 =	simm.s32 $0x108;
	s8 =	sld [smem:$0x3FAF]  }
0x2e: {  	s3 =	simm.s32 @!p0 $0x1082;
	s9 =	sld [smem:$0x3FB0]  }
0x2f: {  	lr =	sadd.s32 s0, s3;
	s0 =	sld [smem:$0x3FA7]  }
0x30: {  	s3 =	sld [smem:$0x3FAA]  }
0x31: {  	[smem:$0x3FB3] =	sst s10  }
0x32: {  	s10 =	sld [smem:$0x3FB1];
	_ =	sdelay $0x3  }
0x33: {  	p0 =	seq.s32 s10, $0x1;
	s10 =	sld [smem:$0x3FB3];
	_ =	sdelay $0x3  }
0x34: {  	[smem:$0x3FB3] =	sst s10  }
0x35: {  	s10 =	sld [smem:$0x3FB2];
	_ =	sdelay $0x3  }
0x36: {  	p1 =	seq.s32 s10, $0x1;
	s10 =	sld [smem:$0x3FB3];
	_ =	sdelay $0x3  }
0x37: {  	[smem:$0x3FB3] =	sst s10  }
0x38: {  	s10 =	sld [smem:$0x3FB4]  }
0x39: {  	_ = 	snop;
	(pc) =	sbr.ind lr, $3  }
0x3a: {  	_ = 	snop  }
0x3b: {  	_ = 	snop  }
0x3c: {  	p2 =	seq.s32 s10, $0x1;
	s10 =	sld [smem:$0x3FB3]  }
0x3d: {  	_ =	shalt  }
0x3e: {  	_ =	shalt  }
0x3f: {  	_ =	shalt  }
0x40: {  	_ =	shalt  }
0x41: {  	_ =	shalt  }
0x42: {  	_ =	shalt  }
0x43: {  	_ =	shalt  }
0x44: {  	_ =	shalt  }
0x45: {  	_ =	shalt  }
0x46: {  	_ =	shalt  }
0x47: {  	_ =	shalt  }
0x48: {  	_ =	shalt  }
0x49: {  	_ =	shalt  }
0x4a: {  	_ =	shalt  }
0x4b: {  	_ =	shalt  }
0x4c: {  	_ =	shalt  }
0x4d: {  	_ =	shalt  }
0x4e: {  	_ =	shalt  }
0x4f: {  	_ =	shalt  }
0x50: {  	_ =	shalt  }
0x51: {  	_ =	shalt  }
0x52: {  	_ =	shalt  }
0x53: {  	_ =	shalt  }
0x54: {  	_ =	shalt  }
0x55: {  	_ =	shalt  }
0x56: {  	_ =	shalt  }
0x57: {  	_ =	shalt  }
0x58: {  	_ =	shalt  }
0x59: {  	_ =	shalt  }
0x5a: {  	_ =	shalt  }
0x5b: {  	_ =	shalt  }
0x5c: {  	_ =	shalt  }
0x5d: {  	_ =	shalt  }
0x5e: {  	_ =	shalt  }
0x5f: {  	_ =	shalt  }
0x60: {  	_ =	shalt  }
0x61: {  	_ =	shalt  }
0x62: {  	_ =	shalt  }
0x63: {  	_ =	shalt  }
0x64: {  	_ =	shalt  }
0x65: {  	_ =	shalt  }
0x66: {  	_ =	shalt  }
0x67: {  	_ =	shalt  }
0x68: {  	_ =	shalt  }
0x69: {  	_ =	shalt  }
0x6a: {  	_ =	shalt  }
0x6b: {  	_ =	shalt  }
0x6c: {  	_ =	shalt  }
0x6d: {  	_ =	shalt  }
0x6e: {  	_ =	shalt  }
0x6f: {  	_ =	shalt  }
0x70: {  	_ =	shalt  }
0x71: {  	_ =	shalt  }
0x72: {  	_ =	shalt  }
0x73: {  	_ =	shalt  }
0x74: {  	_ =	shalt  }
0x75: {  	_ =	shalt  }
0x76: {  	_ =	shalt  }
0x77: {  	_ =	shalt  }
0x78: {  	_ =	shalt  }
0x79: {  	_ =	shalt  }
0x7a: {  	_ =	shalt  }
0x7b: {  	_ =	shalt  }
0x7c: {  	_ =	shalt  }
0x7d: {  	_ =	shalt  }
0x7e: {  	_ =	shalt  }
0x7f: {  	_ =	shalt  }
0x80: {  	_ =	shalt  }
0x81: {  	_ =	shalt  }
0x82: {  	_ =	shalt  }
0x83: {  	_ =	shalt  }
0x84: {  	_ =	shalt  }
0x85: {  	_ =	shalt  }
0x86: {  	_ =	shalt  }
0x87: {  	_ =	shalt  }
.Lfunc_end0:
.L_simem_size_0:
called_computation.1_lowered:
.L_overlay_start_0:
0x88: {  	s2 =	sld [smem:$0x3FD9]  }
0x89: {  	s3 =	sld [smem:$0x3FFE];
	_ =	sdelay $0x1  }
0x8a: {  	s1 =	srdreg.scid  }
0x8b: {  	s0 =	sand.u32 $0x1, s1  }
0x8c: {  	s14 =	sshll.u32 s0, $0xA;
	s2 =	sadd.s32 s3, s2  }
0x8d: {  	s2 =	sadd.s32 s2, s14  }
0x8e: {  	[smem:$0x3FBF] =	sst s2  }
0x8f: {  	_ = 	snop  }
0x90: {  	s2 =	sld [smem:$0x3FD0];
	_ =	sdelay $0x2  }
0x91: {  	s15 =	simm.s32 $0xA;
	s4 =	simm.s32 $0x10  }
0x92: {  	[smem:s4], [sflag:s15] =	dma.local [hbm:s2], $0x1  }
0x93: {  	_ =	swait.eq [sflag:s15], $0x1  }
0x94: {  	[sflag:s15] =	ssyncset.done $0x0  }
0x95: {  	[sflag:s15] =	ssyncadd.s32 $0xFFFFFFFF  }
0x96: {  	s16 =	sld [smem:$0x11];
	(tm) =	ssettm $0x1  }
0x97: {  	s17 =	sld [smem:$0x3FFB];
	_ =	sdelay $0x3  }
0x98: {  	_ =	strace s17  }
0x99: {  	s3 =	sld [smem:$0x3FFC];
	_ =	sdelay $0x3  }
0x9a: {  	_ =	strace s3  }
0x9b: {  	s3 =	sld [smem:$0x3FFD];
	_ =	sdelay $0x3  }
0x9c: {  	_ =	strace s3  }
0x9d: {  	_ =	strace $0x8FFFFFFF  }
0x9e: {  	s18 =	sld [smem:$0x3FDB];
	_ =	sdelay $0x1  }
0x9f: {  	s19 =	simm.s32 $_scs_section_size  }
0xa0: {  	s5 =	simm.s32 $_size__tile_overlayer_lowered;
	s6 =	simm.s32 $_tile_overlayer_lowered  }
0xa1: {  	s22 =	simm.s32 $0x1BFF;
	s21 =	sshll.u32 s6, $0x1;
	s3 =	sadd.s32 s19, s18  }
0xa2: {  	s7 =	simm.s32 $0x0;
	s20 =	sshll.u32 s5, $0x1;
	s5 =	sadd.s32 s21, s3  }
0xa3: {  	[timem:s7], [sflag:s22] =	dma.local [hbm:s5], s20  }
0xa4: {  	_ =	swait.ge [sflag:s22], s20  }
0xa5: {  	s4 =	ssub.s32 $0x0, s20;
	[sflag:s22] =	ssyncset.done $0x0  }
0xa6: {  	[sflag:s22] =	ssyncadd.s32 s4;
	_ =	sdelay $0x1  }
0xa7: {  	s23 =	simm.s32 $0x1B8B  }
0xa8: {  	_ =	swait.ge [sflag:s23], $0x1  }
0xa9: {  	[sflag:s23] =	ssyncset.done $0x0  }
0xaa: {  	s25 =	simm.s32 $0x1B8E;
	s24 =	sld [smem:$0x3FFE];
	[sflag:s23] =	ssyncadd.s32 $0xFFFFFFFF  }
0xab: {  	s26 =	simm.s32 $execute0_lowered;
	[smem:$0x3FD2] =	sst s25  }
0xac: {  	s5 =	sshll.u32 s26, $0x1;
	_ =	strace $0x80000046;
	[dreg:$0x1] =	wrdreg $0xFFFFFFFF  }
0xad: {  	s28 =	simm.s32 $_size_execute0_lowered;
	s3 =	sadd.s32 s3, s5;
	[dreg:$0x0] =	wrdreg $0x0  }
0xae: {  	s5 =	sshll.u32 s28, $0x1;
	[dreg:$0x2] =	wrdreg s3  }
0xaf: {  	[dreg:$0x3] =	wrdreg s5  }
0xb0: {  	[dreg:$0x4] =	wrdreg $0xC0  }
0xb1: {  	_ =	task [dreg:s7], $0x5FFFF  }
0xb2: {  	[dreg:$0x1] =	wrdreg $0xFFFFFFFF  }
0xb3: {  	[dreg:$0x0] =	wrdreg $0x60  }
0xb4: {  	[dreg:$0x2] =	wrdreg s16  }
0xb5: {  	[dreg:$0x3] =	wrdreg s24  }
0xb6: {  	[dreg:$0x4] =	wrdreg $0x60000  }
0xb7: {  	[dreg:$0x5] =	wrdreg $0x9  }
0xb8: {  	_ =	task.clear_ibuf [dreg:s7], $0x6FFFF;
	_ =	strace $0x90000046  }
0xb9: {  	s29 =	simm.s32 $0x9;
	_ =	strace $0x80000048  }
0xba: {  	_ =	swait.ge [sflag:s29], $0x1  }
0xbb: {  	[sflag:s29] =	ssyncadd.s32 $0xFFFFFFFF  }
0xbc: {  	_ =	strace $0x90000048  }
0xbd: {  	_ =	sfence  }
0xbe: {  	s30 =	sld [smem:$0x0];
	_ =	sdelay $0x2  }
0xbf: {  	s31 =	sshll.u32 s1, $0xD;
	s1 =	sshrl.u32 s1, $0x2  }
0xc0: {  	s3 =	sand.u32 $0x4000, s31;
	s1 =	sadd.s32 s1, s30  }
0xc1: {  	s0 =	sor.u32 s3, s0;
	s1 =	sshll.u32 s1, $0x11  }
0xc2: {  	s0 =	sor.u32 s1, s0  }
0xc3: {  	s0 =	sadd.s32 $0x8F2B, s0  }
0xc4: {  	[sflag:s0] =	ssyncadd.remote.s32 $0x1  }
0xc5: {  	_ =	sfence.sel $0xFFFF  }
0xc6: {  	[dreg:$0x0] =	wrdreg $0xFFFFFFFF;
	(pc) =	sbr.abs _section_cstart, $3  }
0xc7: {  	[dreg:$0x1] =	wrdreg $0xFFFFFFFF  }
0xc8: {  	_ =	task.clear_ibuf [dreg:s7], $0x2FFFF;
	_ =	strace $0x9FFFFFFF  }
0xc9: {  	(tm) =	ssettm $0x7FFFFFFF  }
tec
execute0_lowered:
.L_overlay_start_1:
0x0: {  	(tag) =	ssettag $0x1  }
0x1: {  	s1 =	rddreg [dreg:$0x0]  }
0x2: {  	s4 =	rddreg [dreg:$0x1]  }
0x3: {  	s2 =	rddreg [dreg:$0x2]  }
0x4: {  	s0 =	rddreg [dreg:$0x3];
	s3 =	simm.s32 $0x0  }
0x5: {  	s6 =	srdreg.scid;
	s14 =	simm.s32 $0x80;
	s15 =	simm.s32 $0x400  }
0x6: {  	s16 =	simm.s32 $0x1;
	s17 =	simm.s32 $0x2000;
	s18 =	simm.s32 $0x800  }
0x7: {  	s19 =	simm.s32 $0x1000;
	s20 =	simm.s32 $0x1800;
	s21 =	simm.s32 $0x10  }
0x8: {  	[smem:$0x7FF] =	sst s3;
	s5 =	sadd.s32 $0x1800, s4;
	s7 =	sand.u32 $0x1, s6  }
0x9: {  	s4 =	stileid.u32;
	_ =	strace $0x80000047;
	s8 =	ssub.s32 $0x2, s7  }
0xa: {  	s6 =	sshll.u32 s4, $0x10;
	s9 =	sshll.u32 s4, $0x1;
	s10 =	sshrl.u32 s8, $0x1  }
0xb: {  	s12 =	sor.u32 s7, s9;
	s7 =	sadd.s32 s6, s2;
	s13 =	ssub.s32 s8, s10  }
0xc: {  	s8 =	sshll.u32 s12, $0xF;
	s9 =	sadd.s32 $0x4000, s7;
	s10 =	sadd.s32 $0x8000, s7  }
0xd: {  	v0 =	vimm.f32 $0.0e+00;
	v1 =	vimm.f32 $1.000000000e+00;
	s11 =	sadd.s32 $0xC000, s7;
	s12 =	sshll.u32 s12, $0x13;
	s13 =	smax.u32 s13, $0x1  }
.LBB2_1:
0xe: {  	s22 =	simm.s32 $0x40;
	s23 =	simm.s32 $0x0  }
.LBB2_2:
0xf: {  	p0 =	sne.s32 s22, $0xFFC0;
	[tilespmem:s23+$0x2000] =	vst v0;
	s23 =	smov.u32 s22;
	s22 =	sadd.s32 $0x40, s22  }
.Ltmp0:
0x10: {  	(pc) =	sbr.rel @p0 .LBB2_2-.Ltmp0, $2  }
0x11: {  	_ =	sdelay $0x2  }
0x12: {  	s23 =	sshra.s32 s23, $0x2  }
0x13: {  	[tilespmem:s23+$0x2000] =	vst v0;
	s22 =	simm.s32 $0x0;
	s23 =	simm.s32 $0x40;
	s24 =	simm.s32 $0x0  }
.LBB2_4:
0x14: {  	p0 =	sne.s32 s23, $0x1FC0;
	[tilespmem:s24+$0x1800] =	vst v1;
	s24 =	smov.u32 s23;
	s23 =	sadd.s32 $0x40, s23  }
.Ltmp1:
0x15: {  	(pc) =	sbr.rel @p0 .LBB2_4-.Ltmp1, $2  }
0x16: {  	_ =	sdelay $0x2  }
0x17: {  	s24 =	sshra.s32 s24, $0x2  }
0x18: {  	[tilespmem:s24+$0x1800] =	vst v1  }
.LBB2_6:
0x19: {  	s23 =	sshll.u32 s22, $0x7  }
0x1a: {  	s24 =	sadd.s32 s8, s23  }
0x1b: {  	s24 =	sshrl.u32 s24, $0x3  }
0x1c: {  	s25 =	simm.s32 $0x0;
	s24 =	sadd.s32 s1, s24  }
0x1d: {  	[tilespmem:s25], [sflag:$0x1] =	stream.strided.gather [hbm4b:s24+s14], $0x1000, s15, s14, $0x38;
	[tilespmem:$0x16000] =	vst v63  }
0x1e: {  	_ =	swait.ge [sflag:s16], $0x1000  }
0x1f: {  	[sflag:s16] =	ssyncset.done $0x0  }
0x20: {  	s30 =	sand.u32 $0x7F0, s25;
	[sflag:s16] =	ssyncadd.s32 $0xFFFFF000  }
0x21: {  	v2 =	vld [tilespmem:s30+$0x800]  }
0x22: {  	v3 =	vld [tilespmem:s25+$0x0];
	_ =	sdelay $0x2  }
0x23: {  	s31 =	sand.u32 $0x180, s25  }
0x24: {  	s24 =	sadd.s32 s6, s31  }
0x25: {  	v2 =	vshll.u32 v2, $0x9;
	v3 =	vadd.s32 s24, v3  }
0x26: {  	s25 =	simm.s32 $0x10;
	s24 =	simm.s32 $0x1000;
	v2 =	vadd.s32 v2, v3  }
0x27: {  	s28 =	sand.u32 $0x7F0, s25;
	[tilespmem:s24+$0x0] =	vst v2  }
0x28: {  	s26 =	simm.s32 $0x4;
	s29 =	simm.s32 $0x10;
	v2 =	vld [tilespmem:s28+$0x800];
	s28 =	simm.s32 $0x8  }
.LBB2_7:
0x29: {  	p0 =	sne.s32 s28, $0x1FC;
	v3 =	vld [tilespmem:s25+$0x0];
	_ =	sdelay $0x2  }
0x2a: {  	s30 =	sand.u32 $0x180, s26;
	s26 =	smov.u32 s28  }
.Ltmp2:
0x2b: {  	s30 =	sadd.s32 s6, s30;
	(pc) =	sbr.rel @p0 .LBB2_7-.Ltmp2, $4  }
0x2c: {  	v2 =	vshll.u32 v2, $0x9;
	v3 =	vadd.s32 s30, v3  }
0x2d: {  	s29 =	sadd.s32 $0x10, s29;
	s24 =	sadd.s32 $0x10, s24;
	v2 =	vadd.s32 v2, v3  }
0x2e: {  	s30 =	sand.u32 $0x7F0, s29;
	[tilespmem:s24+$0x0] =	vst v2  }
0x2f: {  	s28 =	sadd.s32 $0x4, s28;
	s25 =	sadd.s32 $0x10, s25;
	v2 =	vld [tilespmem:s30+$0x800]  }
0x30: {  	v3 =	vld [tilespmem:s25+$0x0];
	_ =	sdelay $0x2  }
0x31: {  	s29 =	sand.u32 $0x180, s26  }
0x32: {  	s25 =	sadd.s32 s6, s29  }
0x33: {  	v2 =	vshll.u32 v2, $0x9;
	v3 =	vadd.s32 s25, v3  }
0x34: {  	s24 =	sadd.s32 $0x10, s24;
	v2 =	vadd.s32 v2, v3  }
0x35: {  	[tilespmem:s24+$0x0] =	vst v2  }
0x36: {  	[spmem:s7] =	stream.linear.scatter [tilespmem:s17], [sflag:$0x1], $0x4000, $0x38;
	[tilespmem:$0x16000] =	vst v63  }
0x37: {  	_ =	swait.ge [sflag:s16], $0x4000  }
0x38: {  	[sflag:s16] =	ssyncset.done $0x0  }
0x39: {  	[sflag:s16] =	ssyncadd.s32 $0xFFFFC000  }
0x3a: {  	[spmem:s9] =	stream.linear.scatter [tilespmem:s17], [sflag:$0x1], $0x4000, $0x38;
	[tilespmem:$0x16000] =	vst v63  }
0x3b: {  	_ =	swait.ge [sflag:s16], $0x4000  }
0x3c: {  	[sflag:s16] =	ssyncset.done $0x0  }
0x3d: {  	[sflag:s16] =	ssyncadd.s32 $0xFFFFC000  }
0x3e: {  	[spmem:s10] =	stream.linear.scatter [tilespmem:s17], [sflag:$0x1], $0x4000, $0x38;
	[tilespmem:$0x16000] =	vst v63  }
0x3f: {  	_ =	swait.ge [sflag:s16], $0x4000  }
0x40: {  	[sflag:s16] =	ssyncset.done $0x0  }
0x41: {  	[sflag:s16] =	ssyncadd.s32 $0xFFFFC000  }
0x42: {  	[spmem:s11] =	stream.linear.scatter [tilespmem:s17], [sflag:$0x1], $0x4000, $0x38;
	[tilespmem:$0x16000] =	vst v63  }
0x43: {  	_ =	swait.ge [sflag:s16], $0x4000  }
0x44: {  	s23 =	sadd.s32 s12, s23;
	[sflag:s16] =	ssyncset.done $0x0  }
0x45: {  	s30 =	sshll.u32 s4, $0x6;
	s31 =	sshrl.u32 s7, $0x3;
	[sflag:s16] =	ssyncadd.s32 $0xFFFFC000  }
0x46: {  	[spmem:s2] =	stream.indirect.scatter.add.f32 [tilespmem:s20], [sflag:$0x1], $0x1, s19, s18, $0xb8;
	[tilespmem:$0x16000] =	vst v63  }
0x47: {  	s22 =	sadd.s32 $0x1, s22;
	s23 =	sshrl.u32 s23, $0x3;
	_ =	swait.ge [sflag:s16], $0x800  }
0x48: {  	p0 =	sne.s32 s22, $0x8;
	s23 =	sadd.s32 s5, s23;
	[sflag:s16] =	ssyncset.done $0x0  }
.Ltmp3:
0x49: {  	s24 =	sor.u32 $0x1C01, s30;
	[sflag:s16] =	ssyncadd.s32 $0xFFFFF800;
	(pc) =	sbr.rel @p0 .LBB2_6-.Ltmp3, $4  }
0x4a: {  	[hbm:s23@s14], [sflag:s24] =	dma.strided [spmem:s31@s21], $0x2000, s16, $0x10   }
0x4b: {  	_ =	swait.ge [sflag:s16], $0x2000  }
0x4c: {  	[sflag:s16] =	ssyncset.done $0x0  }
0x4d: {  	[sflag:s16] =	ssyncadd.s32 $0xFFFFE000  }
0x4e: {  	s3 =	sadd.s32 $0x1, s3  }
0x4f: {  	p0 =	sne.s32 s3, s13  }
.Ltmp4:
0x50: {  	_ = 	snop;
	(pc) =	sbr.rel @p0 .LBB2_1-.Ltmp4, $1  }
0x51: {  	_ =	sdelay $0x3  }
0x52: {  	_ =	sfence.sel $0x180000  }
0x53: {  	[bflag:$0x0] =	sbarrier.arrive $0xFFFF  }
0x54: {  	p0 =	sne.s32 s4, $0x0;
	_ =	strace $0x90000047  }
0x55: {  	s0 =	sadd.s32 @!p0 $0x100000, s0;
	[bflag:$0x2] =	sbarrier.arrive $0xFFFF  }
0x56: {  	[sflag:s0] =	ssyncadd.tile.s32 @!p0 $0x1;
	_ =	shalt  }
.Lfunc_end2:
_tile_overlayer_lowered:
.L_overlay_start_2:
0x57: {  	(tag) =	ssettag $0x2  }
0x58: {  	s0 =	rddreg [dreg:$0x0];
	s2 =	stileid.u32  }
0x59: {  	s1 =	rddreg [dreg:$0x1];
	p0 =	sne.s32 s2, $0x0  }
0x5a: {  	s3 =	rddreg [dreg:$0x2];
	[bflag:$0x3] =	sbarrier.arrive $0xFFFF;
	s2 =	simm.s32 @!p0 $0x1C01  }
0x5b: {  	[timem:s3], [sflag:s2] =	dma.local @!p0 [hbm:s0], s1  }
0x5c: {  	s0 =	simm.s32 @!p0 $0x1  }
0x5d: {  	_ =	swait.ge @!p0 [sflag:s0], s1  }
0x5e: {  	s1 =	ssub.s32 @!p0 $0x0, s1;
	[sflag:s0] =	ssyncset.done @!p0 $0x0  }
0x5f: {  	[sflag:s0] =	ssyncadd.s32 @!p0 s1  }
0x60: {  	[bflag:$0x3] =	sbarrier.arrive $0xFFFF  }
0x61: {  	_ =	shalt  }

// kernel: sparse-core-data-format-call.cloned.1.call-start
scs
called_computation_lowered:
.L_overlay_start_0:
0x0: {  	s1 =	sld [smem:$0x3FD9]  }
0x1: {  	s2 =	sld [smem:$0x3FFE];
	_ =	sdelay $0x1  }
0x2: {  	s3 =	srdreg.scid  }
0x3: {  	s0 =	sand.u32 $0x1, s3  }
0x4: {  	s17 =	sshll.u32 s0, $0xA;
	s1 =	sadd.s32 s2, s1  }
0x5: {  	s1 =	sadd.s32 s1, s17  }
0x6: {  	[smem:$0x3FBF] =	sst s1  }
0x7: {  	_ = 	snop  }
0x8: {  	(tm) =	ssettm $0x1  }
0x9: {  	s18 =	sld [smem:$0x3FFB];
	_ =	sdelay $0x3  }
0xa: {  	_ =	strace s18  }
0xb: {  	s1 =	sld [smem:$0x3FFC];
	_ =	sdelay $0x3  }
0xc: {  	_ =	strace s1  }
0xd: {  	s1 =	sld [smem:$0x3FFD];
	_ =	sdelay $0x3  }
0xe: {  	_ =	strace s1  }
0xf: {  	_ =	strace $0x8FFFFFFF  }
0x10: {  	s19 =	sld [smem:$0x3FDB];
	_ =	sdelay $0x1  }
0x11: {  	s20 =	simm.s32 $_scs_section_size  }
0x12: {  	s4 =	simm.s32 $_size__tile_overlayer_lowered;
	s5 =	simm.s32 $_tile_overlayer_lowered  }
0x13: {  	s23 =	simm.s32 $0x1BFF;
	s22 =	sshll.u32 s5, $0x1;
	s1 =	sadd.s32 s20, s19  }
0x14: {  	s6 =	simm.s32 $0x0;
	s21 =	sshll.u32 s4, $0x1;
	s4 =	sadd.s32 s22, s1  }
0x15: {  	[timem:s6], [sflag:s23] =	dma.local [hbm:s4], s21  }
0x16: {  	_ =	swait.ge [sflag:s23], s21  }
0x17: {  	s2 =	ssub.s32 $0x0, s21;
	[sflag:s23] =	ssyncset.done $0x0  }
0x18: {  	[sflag:s23] =	ssyncadd.s32 s2;
	_ =	sdelay $0x1  }
0x19: {  	s24 =	simm.s32 $0x1B8B  }
0x1a: {  	_ =	swait.ge [sflag:s24], $0x1  }
0x1b: {  	[sflag:s24] =	ssyncset.done $0x0  }
0x1c: {  	s26 =	simm.s32 $0x1B8E;
	s25 =	sld [smem:$0x3FFE];
	[sflag:s24] =	ssyncadd.s32 $0xFFFFFFFF  }
0x1d: {  	s27 =	simm.s32 $execute0_lowered;
	[smem:$0x3FD2] =	sst s26  }
0x1e: {  	s4 =	sshll.u32 s27, $0x1;
	_ =	strace $0x80000049;
	[dreg:$0x1] =	wrdreg $0xFFFFFFFF  }
0x1f: {  	s28 =	simm.s32 $_size_execute0_lowered;
	s1 =	sadd.s32 s1, s4;
	[dreg:$0x0] =	wrdreg $0x0  }
0x20: {  	s4 =	sshll.u32 s28, $0x1;
	[dreg:$0x2] =	wrdreg s1  }
0x21: {  	[dreg:$0x3] =	wrdreg s4  }
0x22: {  	[dreg:$0x4] =	wrdreg $0xC0  }
0x23: {  	_ =	task [dreg:s6], $0x5FFFF  }
0x24: {  	[dreg:$0x1] =	wrdreg $0xFFFFFFFF  }
0x25: {  	[dreg:$0x0] =	wrdreg $0x60  }
0x26: {  	[dreg:$0x2] =	wrdreg s25  }
0x27: {  	[dreg:$0x3] =	wrdreg $0x9  }
0x28: {  	_ =	task.clear_ibuf [dreg:s6], $0x4FFFF;
	_ =	strace $0x90000049  }
0x29: {  	s29 =	simm.s32 $0x9;
	_ =	strace $0x8000004B  }
0x2a: {  	_ =	swait.ge [sflag:s29], $0x1  }
0x2b: {  	[sflag:s29] =	ssyncadd.s32 $0xFFFFFFFF  }
0x2c: {  	_ =	strace $0x9000004B  }
0x2d: {  	_ =	sfence  }
0x2e: {  	s30 =	sld [smem:$0x0];
	_ =	sdelay $0x2  }
0x2f: {  	s31 =	sshll.u32 s3, $0xD;
	s3 =	sshrl.u32 s3, $0x2  }
0x30: {  	s2 =	sand.u32 $0x4000, s31;
	s1 =	sadd.s32 s3, s30  }
0x31: {  	s0 =	sor.u32 s2, s0;
	s1 =	sshll.u32 s1, $0x11  }
0x32: {  	s0 =	sor.u32 s1, s0  }
0x33: {  	s0 =	sadd.s32 $0x8F2B, s0  }
0x34: {  	[sflag:s0] =	ssyncadd.remote.s32 $0x1  }
0x35: {  	_ =	sfence.sel $0xFFFF  }
0x36: {  	[dreg:$0x0] =	wrdreg $0xFFFFFFFF;
	(pc) =	sbr.abs _section_cstart, $3  }
0x37: {  	[dreg:$0x1] =	wrdreg $0xFFFFFFFF  }
0x38: {  	_ =	task.clear_ibuf [dreg:s6], $0x2FFFF;
	_ =	strace $0x9FFFFFFF  }
0x39: {  	(tm) =	ssettm $0x7FFFFFFF  }
tec
execute0_lowered:
.L_overlay_start_1:
0x0: {  	(tag) =	ssettag $0x1  }
0x1: {  	s1 =	rddreg [dreg:$0x0]  }
0x2: {  	s0 =	rddreg [dreg:$0x1]  }
0x3: {  	_ =	strace $0x8000004A;
	s4 =	srdreg.scid;
	s6 =	simm.s32 $0x2  }
0x4: {  	s12 =	simm.s32 $0x0;
	p0 =	por $0x0, $0x0;
	s13 =	simm.s32 $0x0  }
0x5: {  	s15 =	simm.s32 $0x0;
	s14 =	simm.s32 $0x0;
	s8 =	simm.s32 $0x0  }
.Ltmp0:
0x6: {  	s9 =	simm.s32 $0x0;
	s10 =	simm.s32 $0x0;
	(pc) =	sbr.rel .LBB1_1-.Ltmp0, $4  }
0x7: {  	s2 =	sadd.s32 $0x1800, s1;
	s3 =	sadd.s32 $0x201800, s1;
	s5 =	sshll.u32 s4, $0x4  }
0x8: {  	s1 =	stileid.u32;
	s4 =	simm.s32 $0x1;
	s5 =	sand.u32 $0x10, s5  }
0x9: {  	s7 =	simm.s32 $0x0;
	[sflag:s4] =	ssyncpa.u1 $0x0;
	s5 =	sor.u32 s1, s5  }
0xa: {  	[sflag:s6] =	ssyncpa.u1 $0x0;
	s6 =	simm.s32 $0x10000;
	s11 =	smov.u32 s5  }
.LBB1_7:
0xb: {  	s16 =	sadd.s32 $0x100, s8  }
0xc: {  	s12 =	sadd.s32 $0x8, s9;
	s17 =	smov.u32 s9;
	p2 =	sgt.s32 s16, $0x1FF  }
0xd: {  	s17 =	smov.u32 @p2 s12  }
0xe: {  	s18 =	smov.u32 s10;
	s12 =	sadd.s32 $0x8, s10;
	p3 =	sgt.s32 s17, $0x7  }
0xf: {  	s18 =	smov.u32 @p3 s12  }
0x10: {  	s19 =	smov.u32 s11;
	s12 =	sadd.s32 $0x20, s11;
	p4 =	sgt.s32 s18, $0x7F  }
0x11: {  	p1 =	slt.u32 s7, $0x2;
	s19 =	smov.u32 @p4 s12  }
0x12: {  	s7 =	sadd.s32 $0x1, s7;
	s16 =	simm.s32 @p2 $0x0;
	p2 =	sgt.s32 s19, $0x1F  }
0x13: {  	s20 =	simm.s32 @!p1 $0x2;
	s19 =	smov.u32 @p2 s5;
	p2 =	sne.s32 s7, $0x22  }
.Ltmp1:
0x14: {  	s13 =	smov.u32 s9;
	_ =	swait.ge @!p1 [sflag:s20], $0x4000;
	(pc) =	sbr.rel @!p2 .LBB1_8-.Ltmp1, $4  }
0x15: {  	s15 =	smov.u32 s10;
	s14 =	smov.u32 s11;
	[sflag:s20] =	ssyncset.done @!p1 $0x0  }
0x16: {  	p0 =	por !p0, !p0;
	s17 =	simm.s32 @p3 $0x0;
	[sflag:s20] =	ssyncadd.s32 @!p1 $0xFFFFC000  }
0x17: {  	s9 =	smov.u32 s17;
	s18 =	simm.s32 @p4 $0x0;
	s12 =	smov.u32 s8  }
0x18: {  	s8 =	smov.u32 s16;
	s10 =	smov.u32 s18;
	s11 =	smov.u32 s19  }
.LBB1_1:
0x19: {  	p1 =	sgt.u32 s7, $0x1F  }
0x1a: {  	s16 =	sxor.u32 @!p1 $0xFFFFFFFF, s7;
	s17 =	sshll.u32 @!p1 s8, $0x3  }
0x1b: {  	s18 =	sshll.u32 @!p1 s9, $0x7;
	s19 =	sand.u32 @!p1 $0x78, s8;
	s20 =	sshll.u32 @!p1 s11, $0x10  }
0x1c: {  	s21 =	sshll.u32 @!p1 s10, $0x9;
	s16 =	sshll.u32 @!p1 s16, $0xE;
	s18 =	sand.u32 @!p1 $0x380, s18  }
0x1d: {  	s17 =	sand.u32 @!p1 $0xC00, s17;
	s16 =	sand.u32 @!p1 $0x4000, s16;
	s18 =	sor.u32 @!p1 s19, s18  }
0x1e: {  	s19 =	sand.u32 @!p1 $0x7, s8;
	s17 =	sor.u32 @!p1 s17, s18;
	s18 =	sadd.s32 @!p1 s2, s20  }
0x1f: {  	s19 =	sshll.u32 @!p1 s19, $0x12;
	s17 =	sshrl.u32 @!p1 s17, $0x3;
	s18 =	sadd.s32 @!p1 s21, s18  }
0x20: {  	s17 =	sadd.s32 @!p1 s17, s18;
	s18 =	sor.u32 @!p1 $0x800, s19;
	s19 =	simm.s32 @!p1 $0x1000  }
0x21: {  	[tilespmem:s16], [sflag:$0x1] =	stream.strided.gather @!p1 [hbm4b:s17+s18], $0x4000, s19, s18, $0x38;
	[tilespmem:$0x10000] =	vst v63  }
0x22: {  	p1 =	seq.s32 s7, $0x0  }
0x23: {  	p2 =	seq.s32 @!p1 s7, $0x21  }
0x24: {  	p1 =	por p1, p2  }
.Ltmp2:
0x25: {  	_ = 	snop;
	(pc) =	sbr.rel @p1 .LBB1_7-.Ltmp2, $1  }
0x26: {  	_ =	sdelay $0x3  }
0x27: {  	s16 =	simm.s32 $0x1;
	_ =	swait.ge [sflag:s4], $0x4000  }
0x28: {  	s31 =	sshll.u32 s7, $0xE;
	s21 =	simm.s32 $0x0;
	p1 =	por $0x0, $0x0  }
0x29: {  	s22 =	simm.s32 $0x0;
	s23 =	simm.s32 $0x0;
	s16 =	simm.s32 @!p0 $0x0  }
0x2a: {  	[sflag:s4] =	ssyncset.done $0x0;
	s19 =	sand.u32 $0x4000, s31;
	s16 =	sshll.u32 s16, $0x10  }
0x2b: {  	[sflag:s4] =	ssyncadd.s32 $0xFFFFC000;
	s20 =	sshrl.u32 s16, $0x2;
	s16 =	sor.u32 $0x8000, s19  }
0x2c: {  	s17 =	sor.u32 $0x40, s20;
	s18 =	sor.u32 $0x8410, s20;
	s20 =	sadd.s32 $0x8400, s20  }
.LBB1_3:
0x2d: {  	v1 =	vld [tilespmem:s17+$0xFFFFFFD0]  }
0x2e: {  	v2 =	vld [tilespmem:s17+$0x430]  }
0x2f: {  	s24 =	sshll.u32 s23, $0xB;
	v4 =	vld [tilespmem:s17+$0xFFFFFFE0]  }
0x30: {  	v7 =	vld [tilespmem:s17+$0xFFFFFFF0];
	v0 =	vmov s24  }
0x31: {  	v8 =	vld [tilespmem:s17+$0x0]  }
0x32: {  	s30 =	sand.u32 $0x300, s21;
	v9 =	vld [tilespmem:s17+$0x10]  }
0x33: {  	s25 =	sand.u32 $0x80, s21;
	v10 =	vld [tilespmem:s17+$0x20];
	s24 =	sadd.s32 s30, s19  }
0x34: {  	v11 =	vld [tilespmem:s17+$0x30];
	s24 =	sadd.s32 s25, s24;
	s25 =	simm.s32 $0x1;
	[tilespmem:s18+$0x60] =	vst v2  }
0x35: {  	s31 =	sshll.u32 s22, $0x2;
	s25 =	simm.s32 @!p1 $0x0;
	[tilespmem:s18+$0xFFFFFC00] =	vst v1;
	v3 =	vld.idx.msk [tilespmem:v0+s24+$0x400 ss:$0x1], $0xffff  }
0x36: {  	v6 =	vld [tilespmem:s17+$0x3D0];
	s25 =	sshll.u32 s25, $0x9;
	[tilespmem:s18+$0xFFFFFC10] =	vst v4;
	s24 =	sand.u32 $0xFFFFFC00, s31  }
0x37: {  	v5 =	vld [tilespmem:s17+$0x3E0];
	[tilespmem:s18+$0xFFFFFC20] =	vst v7;
	s24 =	sor.u32 s25, s24  }
0x38: {  	[tilespmem:s18+$0xFFFFFC30] =	vst v8;
	v4 =	vld [tilespmem:s17+$0x400];
	s24 =	sshrl.u32 s24, $0x2  }
0x39: {  	[tilespmem:s18+$0xFFFFFC40] =	vst v9;
	v1 =	vld [tilespmem:s17+$0x410];
	s24 =	sadd.s32 s24, s20  }
0x3a: {  	[tilespmem:s24+$0x0] =	vst v3;
	v3 =	vld [tilespmem:s17+$0x3F0]  }
0x3b: {  	s28 =	simm.s32 $0x80;
	s27 =	simm.s32 $0x100;
	[tilespmem:s18+$0xFFFFFC50] =	vst v10;
	v2 =	vld [tilespmem:s17+$0x420]  }
0x3c: {  	s26 =	smov.u32 s18;
	s29 =	sand.u32 $0x300, s28;
	v7 =	vld [tilespmem:s17+$0xFFFFFFC0];
	[tilespmem:s18+$0xFFFFFC60] =	vst v11;
	s25 =	sadd.s32 $0x80, s17  }
.LBB1_4:
0x3d: {  	p2 =	sne.s32 s27, $0x380;
	v8 =	vld [tilespmem:s25+$0xFFFFFFD0];
	s28 =	sand.u32 $0x80, s28;
	s29 =	sadd.s32 s29, s19;
	[tilespmem:s26+$0x0] =	vst v6  }
0x3e: {  	s29 =	sadd.s32 s28, s29;
	v6 =	vld [tilespmem:s25+$0x430];
	[tilespmem:s26+$0x10] =	vst v5;
	s28 =	smov.u32 s27  }
0x3f: {  	v5 =	vld.idx.msk [tilespmem:v0+s29+$0x400 ss:$0x1], $0xffff;
	[tilespmem:s26+$0x20] =	vst v3  }
0x40: {  	v3 =	vld [tilespmem:s25+$0xFFFFFFE0];
	[tilespmem:s26+$0x30] =	vst v4  }
0x41: {  	v4 =	vld [tilespmem:s25+$0xFFFFFFF0];
	[tilespmem:s26+$0xFFFFFBF0] =	vst v7  }
0x42: {  	v7 =	vld [tilespmem:s25+$0x0];
	[tilespmem:s26+$0x40] =	vst v1  }
0x43: {  	v1 =	vld [tilespmem:s25+$0x10];
	[tilespmem:s26+$0x50] =	vst v2;
	s26 =	sadd.s32 $0x800, s26  }
0x44: {  	s24 =	sadd.s32 $0x800, s24;
	v2 =	vld [tilespmem:s25+$0x20];
	[tilespmem:s26+$0x60] =	vst v6  }
0x45: {  	v9 =	vld [tilespmem:s25+$0x30];
	[tilespmem:s24+$0x0] =	vst v5  }
0x46: {  	[tilespmem:s26+$0xFFFFFC00] =	vst v8;
	v6 =	vld [tilespmem:s25+$0x3D0]  }
0x47: {  	[tilespmem:s26+$0xFFFFFC10] =	vst v3;
	v5 =	vld [tilespmem:s25+$0x3E0]  }
.Ltmp3:
0x48: {  	[tilespmem:s26+$0xFFFFFC20] =	vst v4;
	v3 =	vld [tilespmem:s25+$0x3F0];
	(pc) =	sbr.rel @p2 .LBB1_4-.Ltmp3, $4  }
0x49: {  	[tilespmem:s26+$0xFFFFFC30] =	vst v7;
	v4 =	vld [tilespmem:s25+$0x400]  }
0x4a: {  	[tilespmem:s26+$0xFFFFFC40] =	vst v1;
	v1 =	vld [tilespmem:s25+$0x410]  }
0x4b: {  	[tilespmem:s26+$0xFFFFFC50] =	vst v2;
	v2 =	vld [tilespmem:s25+$0x420]  }
0x4c: {  	s27 =	sadd.s32 $0x80, s27;
	s29 =	sand.u32 $0x300, s28;
	v7 =	vld [tilespmem:s25+$0xFFFFFFC0];
	[tilespmem:s26+$0xFFFFFC60] =	vst v9;
	s25 =	sadd.s32 $0x80, s25  }
0x4d: {  	[tilespmem:s26+$0x0] =	vst v6  }
0x4e: {  	[tilespmem:s26+$0x10] =	vst v5  }
0x4f: {  	v49 =	vld [tilespmem:s25+$0x430];
	[tilespmem:s26+$0x20] =	vst v3  }
0x50: {  	v50 =	vld [tilespmem:s25+$0xFFFFFFD0];
	[tilespmem:s26+$0x30] =	vst v4  }
0x51: {  	v51 =	vld [tilespmem:s25+$0xFFFFFFE0];
	[tilespmem:s26+$0x40] =	vst v1  }
0x52: {  	v52 =	vld [tilespmem:s25+$0xFFFFFFF0];
	[tilespmem:s26+$0x50] =	vst v2  }
0x53: {  	s31 =	sadd.s32 $0x800, s26;
	v53 =	vld [tilespmem:s25+$0x0];
	[tilespmem:s26+$0xFFFFFBF0] =	vst v7  }
0x54: {  	v54 =	vld [tilespmem:s25+$0x10];
	[tilespmem:s31+$0x60] =	vst v49  }
0x55: {  	v55 =	vld [tilespmem:s25+$0x20];
	[tilespmem:s31+$0xFFFFFC00] =	vst v50  }
0x56: {  	v56 =	vld [tilespmem:s25+$0x30];
	[tilespmem:s31+$0xFFFFFC10] =	vst v51  }
0x57: {  	v57 =	vld [tilespmem:s25+$0x3D0];
	[tilespmem:s31+$0xFFFFFC20] =	vst v52  }
0x58: {  	v58 =	vld [tilespmem:s25+$0x3E0];
	[tilespmem:s31+$0xFFFFFC30] =	vst v53  }
0x59: {  	v59 =	vld [tilespmem:s25+$0x3F0];
	[tilespmem:s31+$0xFFFFFC40] =	vst v54  }
0x5a: {  	v60 =	vld [tilespmem:s25+$0x400];
	[tilespmem:s31+$0xFFFFFC50] =	vst v55  }
0x5b: {  	v61 =	vld [tilespmem:s25+$0xFFFFFFC0];
	[tilespmem:s31+$0xFFFFFC60] =	vst v56  }
0x5c: {  	s27 =	sand.u32 $0x80, s28;
	s30 =	sadd.s32 s29, s19;
	v62 =	vld [tilespmem:s25+$0x410];
	[tilespmem:s31+$0x0] =	vst v57  }
0x5d: {  	v63 =	vld [tilespmem:s25+$0x420];
	s23 =	sadd.s32 $0x1, s23;
	s27 =	sadd.s32 s27, s30;
	[tilespmem:s31+$0x10] =	vst v58  }
0x5e: {  	p2 =	sne.s32 s23, $0x8;
	v0 =	vld.idx.msk [tilespmem:v0+s27+$0x400 ss:$0x1], $0xffff;
	[tilespmem:s31+$0x20] =	vst v59  }
.Ltmp4:
0x5f: {  	[tilespmem:s31+$0x30] =	vst v60;
	(pc) =	sbr.rel @p2 .LBB1_3-.Ltmp4, $4  }
0x60: {  	[tilespmem:s31+$0xFFFFFBF0] =	vst v61  }
0x61: {  	[tilespmem:s31+$0x40] =	vst v62  }
0x62: {  	s24 =	sadd.s32 $0x800, s24;
	s17 =	sadd.s32 $0x800, s17;
	[tilespmem:s31+$0x50] =	vst v63  }
0x63: {  	s22 =	sadd.s32 $0x80, s22;
	p1 =	por !p1, !p1;
	s18 =	sadd.s32 $0x80, s18;
	[tilespmem:s24+$0x0] =	vst v0  }
0x64: {  	s17 =	sand.u32 $0x78, s12  }
0x65: {  	s18 =	sshll.u32 s15, $0x9;
	s19 =	sshll.u32 s12, $0x3;
	s27 =	sshll.u32 s15, $0x7  }
0x66: {  	s14 =	sshll.u32 s14, $0x10;
	s13 =	sshll.u32 s13, $0xD;
	s30 =	sand.u32 $0x7, s12  }
0x67: {  	s18 =	sand.u32 $0xF000, s18;
	s19 =	sand.u32 $0xFC00, s19;
	s28 =	sand.u32 $0x200, s27  }
0x68: {  	s15 =	sand.u32 $0x180, s27;
	s14 =	sadd.s32 s3, s14;
	s18 =	sadd.s32 s18, s19  }
.Ltmp5:
0x69: {  	s15 =	sor.u32 s15, s17;
	s18 =	sor.u32 s28, s18;
	(pc) =	sbr.rel .LBB1_7-.Ltmp5, $4  }
0x6a: {  	s13 =	sadd.s32 s13, s14;
	s15 =	sshrl.u32 s15, $0x3;
	s29 =	sshrl.u32 s18, $0x3  }
0x6b: {  	s12 =	sshll.u32 s30, $0x12;
	s13 =	sadd.s32 s15, s13;
	s31 =	sand.u32 $0x1FC0, s29  }
0x6c: {  	s12 =	sor.u32 $0x800, s12;
	s13 =	sadd.s32 s31, s13  }
0x6d: {  	[hbm4b:s13+s12] =	stream.strided.scatter [tilespmem:s16], [sflag:$0x2], $0x4000, s6, s12, $0x38;
	[tilespmem:$0x10000] =	vst v63  }
.LBB1_8:
0x6e: {  	_ =	sfence.sel $0x180000  }
0x6f: {  	s2 =	simm.s32 $0x1;
	[bflag:$0x0] =	sbarrier.arrive $0xFFFF  }
0x70: {  	s31 =	simm.s32 $0x2;
	[sflag:s2] =	ssyncpa.u1 $0x1  }
0x71: {  	[sflag:s31] =	ssyncpa.u1 $0x1  }
0x72: {  	p0 =	sne.s32 s1, $0x0;
	_ =	strace $0x9000004A  }
0x73: {  	s0 =	sadd.s32 @!p0 $0x100000, s0;
	[bflag:$0x2] =	sbarrier.arrive $0xFFFF  }
0x74: {  	[sflag:s0] =	ssyncadd.tile.s32 @!p0 $0x1;
	_ =	shalt  }
.Lfunc_end1:
_tile_overlayer_lowered:
.L_overlay_start_2:
0x75: {  	(tag) =	ssettag $0x2  }
0x76: {  	s0 =	rddreg [dreg:$0x0];
	s2 =	stileid.u32  }
0x77: {  	s1 =	rddreg [dreg:$0x1];
	p0 =	sne.s32 s2, $0x0  }
0x78: {  	s3 =	rddreg [dreg:$0x2];
	[bflag:$0x3] =	sbarrier.arrive $0xFFFF;
	s2 =	simm.s32 @!p0 $0x1C01  }
0x79: {  	[timem:s3], [sflag:s2] =	dma.local @!p0 [hbm:s0], s1  }
0x7a: {  	s0 =	simm.s32 @!p0 $0x1  }
0x7b: {  	_ =	swait.ge @!p0 [sflag:s0], s1  }
0x7c: {  	s1 =	ssub.s32 @!p0 $0x0, s1;
	[sflag:s0] =	ssyncset.done @!p0 $0x0  }
0x7d: {  	[sflag:s0] =	ssyncadd.s32 @!p0 s1  }
0x7e: {  	[bflag:$0x3] =	sbarrier.arrive $0xFFFF  }
0x7f: {  	_ =	shalt  }

</sc_bundles>
